<compile_context>
chip_gen: v7x
topology: tpu7x:2x2x1
jax: 0.10.2.dev20260603
libtpu: 0.0.44.dev20260713+nightly
codegen_flags: <defaults>
</compile_context>

<pallas_src>
import functools

import jax
import jax.numpy as jnp
from jax import lax
from jax.experimental import pallas as pl
from jax.experimental.pallas import tpu as pltpu
from jax.experimental.pallas import tpu_sc as plsc

D_FEAT = 256
N_NODES = 10000
E_TOTAL = 320000
NUM_WORKERS = 32
E_PER_WORKER = E_TOTAL // NUM_WORKERS
CHUNK = 80
E_BLOCK = 2000
BLOCKS_PER_WORKER = E_PER_WORKER // E_BLOCK
CHUNKS_PER_BLOCK = E_BLOCK // CHUNK
NBUF = 2

LOSS_ROWS = 2500
POS_ROWS = 1250


def _make_score_kernel():
    mesh = plsc.VectorSubcoreMesh(core_axis_name="c", subcore_axis_name="s")

    @functools.partial(
        pl.kernel,
        mesh=mesh,
        out_type=jax.ShapeDtypeStruct((E_TOTAL,), jnp.float32),
        compiler_params=pltpu.CompilerParams(
            use_tc_tiling_on_sc=False, needs_layout_passes=False),
        scratch_types=[
            pltpu.VMEM((E_BLOCK,), jnp.int32),
            pltpu.VMEM((E_BLOCK,), jnp.int32),
            pltpu.VMEM((NBUF, CHUNK, D_FEAT), jnp.bfloat16),
            pltpu.VMEM((NBUF, CHUNK, D_FEAT), jnp.bfloat16),
            pltpu.VMEM((E_BLOCK,), jnp.float32),
            pltpu.VMEM_SHARED((N_NODES, D_FEAT), jnp.bfloat16),
            pltpu.SemaphoreType.DMA,
            pltpu.SemaphoreType.DMA,
            pltpu.SemaphoreType.DMA,
            pltpu.SemaphoreType.DMA,
        ],
    )
    def score_kernel(table_hbm, src_hbm, dst_hbm, out_hbm,
                     sidx_blk, didx_blk, urows, vrows, scores_blk,
                     spmem_tab, sem_u0, sem_v0, sem_u1, sem_v1):
        sid = lax.axis_index("s")
        wid = sid * 2 + lax.axis_index("c")
        wbase = wid * E_PER_WORKER
        sems = ((sem_u0, sem_v0), (sem_u1, sem_v1))

        rows_per_tile = N_NODES // 16
        pltpu.sync_copy(
            table_hbm.at[pl.ds(sid * rows_per_tile, rows_per_tile)],
            spmem_tab.at[pl.ds(sid * rows_per_tile, rows_per_tile)])
        plsc.subcore_barrier()

        def issue(i, b):
            off = i * CHUNK
            pltpu.async_copy(
                spmem_tab.at[sidx_blk.at[pl.ds(off, CHUNK)]],
                urows.at[b], sems[b][0])
            pltpu.async_copy(
                spmem_tab.at[didx_blk.at[pl.ds(off, CHUNK)]],
                vrows.at[b], sems[b][1])

        def wait(i, b):
            off = i * CHUNK
            pltpu.make_async_copy(
                spmem_tab.at[sidx_blk.at[pl.ds(off, CHUNK)]],
                urows.at[b], sems[b][0]).wait()
            pltpu.make_async_copy(
                spmem_tab.at[didx_blk.at[pl.ds(off, CHUNK)]],
                vrows.at[b], sems[b][1]).wait()

        lane = lax.iota(jnp.int32, 16)

        def compute(i, b):
            ub = urows.at[b]
            vb = vrows.at[b]

            def group_body(g, c2):
                def edge_body(k, svec):
                    e = g * 16 + k
                    accs = [jnp.zeros((16,), jnp.float32) for _ in range(4)]
                    for j in range(8):
                        pj = ub[e, pl.ds(32 * j, 32)] * vb[e, pl.ds(32 * j, 32)]
                        pa, px = plsc.unpack(
                            pj, format=plsc.PackFormat.INTERLEAVED,
                            preferred_element_type=jnp.float32)
                        accs[(2 * j) % 4] = accs[(2 * j) % 4] + pa
                        accs[(2 * j + 1) % 4] = accs[(2 * j + 1) % 4] + px
                    acc = (accs[0] + accs[1]) + (accs[2] + accs[3])
                    return jnp.where(lane == k, jnp.sum(acc), svec)

                svec = lax.fori_loop(
                    0, 16, edge_body, jnp.zeros((16,), jnp.float32))
                scores_blk[pl.ds(i * CHUNK + g * 16, 16)] = svec
                return c2

            lax.fori_loop(0, CHUNK // 16, group_body, 0)

        def blk_body(blk, c0):
            bbase = wbase + blk * E_BLOCK
            pltpu.sync_copy(src_hbm.at[pl.ds(bbase, E_BLOCK)], sidx_blk)
            pltpu.sync_copy(dst_hbm.at[pl.ds(bbase, E_BLOCK)], didx_blk)

            for b in range(NBUF):
                issue(b, b)

            def pair_body(i0, c):
                for b in range(NBUF):
                    i = i0 * NBUF + b
                    wait(i, b)
                    compute(i, b)

                    @pl.when(i + NBUF < CHUNKS_PER_BLOCK)
                    def _():
                        issue(i + NBUF, b)
                return c

            lax.fori_loop(0, CHUNKS_PER_BLOCK // NBUF, pair_body, 0)
            last = CHUNKS_PER_BLOCK - 1
            wait(last, last % NBUF)
            compute(last, last % NBUF)

            pltpu.sync_copy(scores_blk, out_hbm.at[pl.ds(bbase, E_BLOCK)])
            return c0

        lax.fori_loop(0, BLOCKS_PER_WORKER, blk_body, 0)

    return score_kernel


_score_kernel = _make_score_kernel()


def _loss_body(s_ref, o_ref):
    s = s_ref[...]
    row = lax.broadcasted_iota(jnp.int32, (LOSS_ROWS, 128), 0)
    label = (row < POS_ROWS).astype(jnp.float32)
    l = jnp.maximum(s, 0.0) - s * label + jnp.log1p(jnp.exp(-jnp.abs(s)))
    o_ref[...] = jnp.sum(l).reshape(1, 1) * (1.0 / E_TOTAL)


_loss_call = pl.pallas_call(
    _loss_body,
    out_shape=jax.ShapeDtypeStruct((1, 1), jnp.float32),
)


def kernel(block_outputs, pos_edge_index, neg_edge_index):
    src = jnp.concatenate(
        [pos_edge_index[0], neg_edge_index[0]]).astype(jnp.int32)
    dst = jnp.concatenate(
        [pos_edge_index[1], neg_edge_index[1]]).astype(jnp.int32)
    scores = _score_kernel(block_outputs.astype(jnp.bfloat16), src, dst)
    loss = _loss_call(scores.reshape(LOSS_ROWS, 128))
    return loss[0, 0]

# --- scband reference (transcript-rebuilt; emitter-appended) ---
"""Pipeline reference for scband-cross-entropy-loss-7146825581284 (READ-ONLY COPY).

The authoritative reference and input builder live on the scoring server;
editing this copy changes nothing except your own understanding.
"""

import jax, jax.numpy as jnp
import numpy as np

N_NODES = 10000
D_FEAT = 256
E_POS = 160000
E_NEG = 160000


def setup_inputs(seed: int = 0) -> dict:
    key = jax.random.key(seed)
    k1, k2, k3 = jax.random.split(key, 3)
    block_outputs = jax.random.normal(k1, (N_NODES, D_FEAT), dtype=jnp.float32)
    pos_edge_index = jax.random.randint(k2, (2, E_POS), 0, N_NODES, dtype=jnp.int64)
    neg_edge_index = jax.random.randint(k3, (2, E_NEG), 0, N_NODES, dtype=jnp.int64)
    return {
        "block_outputs": block_outputs,
        "pos_edge_index": pos_edge_index,
        "neg_edge_index": neg_edge_index,
    }


def _edge_dot_scores(h, edge_index):
    # DGL fn.u_dot_v('h','h','score'): per-edge dot of src and dst node features,
    # result shape [E, 1]
    h_u = jnp.take(h, edge_index[0], axis=0)
    h_v = jnp.take(h, edge_index[1], axis=0)
    return jnp.sum(h_u * h_v, axis=-1, keepdims=True)


def _bce_with_logits(score, label):
    # numerically stable binary_cross_entropy_with_logits, mean reduction
    return jnp.mean(jnp.maximum(score, 0.0) - score * label + jnp.log1p(jnp.exp(-jnp.abs(score))))


def reference(block_outputs, pos_edge_index, neg_edge_index):
    pos_score = _edge_dot_scores(block_outputs, pos_edge_index)
    neg_score = _edge_dot_scores(block_outputs, neg_edge_index)
    score = jnp.concatenate([pos_score, neg_score], axis=0)
    label = jnp.concatenate(
        [jnp.ones_like(pos_score), jnp.zeros_like(neg_score)], axis=0
    ).astype(jnp.float32)
    loss = _bce_with_logits(score, label)
    return loss

if __name__ == "__main__":
    import jax
    _d = setup_inputs()
    print(jax.jit(kernel)(*tuple(_d.values())))

</pallas_src>

<mosaic_0001>
#map = affine_map<(d0, d1) -> (0, 0)>
#map1 = affine_map<(d0, d1) -> (0)>
module attributes {stable_mosaic.version = 14 : i64} {
  func.func @score_kernel(%arg0: i32, %arg1: i32, %arg2: memref<10000x256xbf16, #tpu.memory_space<hbm>>, %arg3: memref<320000xi32, #tpu.memory_space<hbm>>, %arg4: memref<320000xi32, #tpu.memory_space<hbm>>, %arg5: memref<320000xf32, #tpu.memory_space<hbm>>, %arg6: memref<2000xi32, #tpu.memory_space<vmem>>, %arg7: memref<2000xi32, #tpu.memory_space<vmem>>, %arg8: memref<2x80x256xbf16, #tpu.memory_space<vmem>>, %arg9: memref<2x80x256xbf16, #tpu.memory_space<vmem>>, %arg10: memref<2000xf32, #tpu.memory_space<vmem>>, %arg11: memref<10000x256xbf16, #tpu.memory_space<vmem_shared>>, %arg12: memref<!tpu.dma_semaphore, #tpu.memory_space<semaphore_mem>>, %arg13: memref<!tpu.dma_semaphore, #tpu.memory_space<semaphore_mem>>, %arg14: memref<!tpu.dma_semaphore, #tpu.memory_space<semaphore_mem>>, %arg15: memref<!tpu.dma_semaphore, #tpu.memory_space<semaphore_mem>>) attributes {dimension_semantics = [#tpu.dimension_semantics<core_parallel>, #tpu.dimension_semantics<subcore_parallel>], iteration_bounds = array<i64: 2, 16>, scalar_prefetch = 0 : i64, scratch_operands = 10 : i64, tpu.core_type = #tpu.core_type<sc_vector_subcore>, window_params = [{transform_indices = #map}, {transform_indices = #map1}, {transform_indices = #map1}, {transform_indices = #map1}]} {
    %mul3A = arith.constant 2 : i32
    %mul3A_0 = arith.muli %arg1, %mul3A : i32
    %add3A = arith.addi %mul3A_0, %arg0 : i32
    %mul3A_1 = arith.constant 10000 : i32
    %mul3A_2 = arith.muli %add3A, %mul3A_1 : i32
    %mul3A_3 = arith.constant 625 : i32
    %mul3A_4 = arith.muli %arg1, %mul3A_3 : i32
    %mul3A_5 = arith.constant 625 : i32
    %mul3A_6 = arith.muli %arg1, %mul3A_5 : i32
    "tpu.region"() ({
      %run_scoped3A = tpu.sem_alloc : memref<!tpu.dma_semaphore, #tpu.memory_space<semaphore_mem>>
      %dma_start3A = arith.constant 0 : i32
      %dma_start3A_12 = tpu.memref_slice %arg11[%mul3A_6, %dma_start3A] : memref<10000x256xbf16, #tpu.memory_space<vmem_shared>> -> memref<625x256xbf16, #tpu.memory_space<vmem_shared>>
      %dma_start3A_13 = arith.constant 0 : i32
      %dma_start3A_14 = tpu.memref_slice %arg2[%mul3A_4, %dma_start3A_13] : memref<10000x256xbf16, #tpu.memory_space<hbm>> -> memref<625x256xbf16, #tpu.memory_space<hbm>>
      tpu.enqueue_dma source(%dma_start3A_14 : memref<625x256xbf16, #tpu.memory_space<hbm>>) target(%dma_start3A_12 : memref<625x256xbf16, #tpu.memory_space<vmem_shared>>) target_semaphore(%run_scoped3A : memref<!tpu.dma_semaphore, #tpu.memory_space<semaphore_mem>>)
      %dma_wait3A = arith.constant 0 : i32
      %dma_wait3A_15 = tpu.memref_slice %arg11[%mul3A_6, %dma_wait3A] : memref<10000x256xbf16, #tpu.memory_space<vmem_shared>> -> memref<625x256xbf16, #tpu.memory_space<vmem_shared>>
      %dma_wait3A_16 = arith.constant 0 : i32
      %dma_wait3A_17 = tpu.memref_slice %arg2[%mul3A_4, %dma_wait3A_16] : memref<10000x256xbf16, #tpu.memory_space<hbm>> -> memref<625x256xbf16, #tpu.memory_space<hbm>>
      tpu.wait_dma2 semaphore(%run_scoped3A : memref<!tpu.dma_semaphore, #tpu.memory_space<semaphore_mem>>) src(%dma_wait3A_17 : memref<625x256xbf16, #tpu.memory_space<hbm>>) dst(%dma_wait3A_15 : memref<625x256xbf16, #tpu.memory_space<vmem_shared>>)
      tpu.yield
    }) : () -> ()
    %barrier3A = arith.constant 0 : index
    tpu.barrier barrier_id(%barrier3A)
    %iota3A = tpu.iota {dimensions = array<i32: 0>} : vector<16xi32>
    %scan3A = arith.constant 0 : i32
    %scan3A_7 = arith.constant 0 : i32
    %scan3A_8 = arith.constant 5 : i32
    %scan3A_9 = arith.addi %scan3A_7, %scan3A_8 : i32
    %scan3A_10 = arith.constant 1 : i32
    scf.for %scan3A_12 = %scan3A_7 to %scan3A_9 step %scan3A_10  : i32 {
      %mul3A_13 = arith.constant 2000 : i32
      %mul3A_14 = arith.muli %scan3A_12, %mul3A_13 : i32
      %add3A_15 = arith.addi %mul3A_2, %mul3A_14 : i32
      "tpu.region"() ({
        %run_scoped3A = tpu.sem_alloc : memref<!tpu.dma_semaphore, #tpu.memory_space<semaphore_mem>>
        %dma_start3A_88 = tpu.memref_slice %arg3[%add3A_15] : memref<320000xi32, #tpu.memory_space<hbm>> -> memref<2000xi32, #tpu.memory_space<hbm>>
        %dma_start3A_89 = tpu.memref_slice %arg3[%add3A_15] : memref<320000xi32, #tpu.memory_space<hbm>> -> memref<2000xi32, #tpu.memory_space<hbm>>
        tpu.enqueue_dma source(%dma_start3A_89 : memref<2000xi32, #tpu.memory_space<hbm>>) target(%arg6 : memref<2000xi32, #tpu.memory_space<vmem>>) target_semaphore(%run_scoped3A : memref<!tpu.dma_semaphore, #tpu.memory_space<semaphore_mem>>)
        %dma_wait3A_90 = tpu.memref_slice %arg3[%add3A_15] : memref<320000xi32, #tpu.memory_space<hbm>> -> memref<2000xi32, #tpu.memory_space<hbm>>
        %dma_wait3A_91 = tpu.memref_slice %arg3[%add3A_15] : memref<320000xi32, #tpu.memory_space<hbm>> -> memref<2000xi32, #tpu.memory_space<hbm>>
        tpu.wait_dma2 semaphore(%run_scoped3A : memref<!tpu.dma_semaphore, #tpu.memory_space<semaphore_mem>>) src(%dma_wait3A_91 : memref<2000xi32, #tpu.memory_space<hbm>>) dst(%arg6 : memref<2000xi32, #tpu.memory_space<vmem>>)
        tpu.yield
      }) : () -> ()
      "tpu.region"() ({
        %run_scoped3A = tpu.sem_alloc : memref<!tpu.dma_semaphore, #tpu.memory_space<semaphore_mem>>
        %dma_start3A_88 = tpu.memref_slice %arg4[%add3A_15] : memref<320000xi32, #tpu.memory_space<hbm>> -> memref<2000xi32, #tpu.memory_space<hbm>>
        %dma_start3A_89 = tpu.memref_slice %arg4[%add3A_15] : memref<320000xi32, #tpu.memory_space<hbm>> -> memref<2000xi32, #tpu.memory_space<hbm>>
        tpu.enqueue_dma source(%dma_start3A_89 : memref<2000xi32, #tpu.memory_space<hbm>>) target(%arg7 : memref<2000xi32, #tpu.memory_space<vmem>>) target_semaphore(%run_scoped3A : memref<!tpu.dma_semaphore, #tpu.memory_space<semaphore_mem>>)
        %dma_wait3A_90 = tpu.memref_slice %arg4[%add3A_15] : memref<320000xi32, #tpu.memory_space<hbm>> -> memref<2000xi32, #tpu.memory_space<hbm>>
        %dma_wait3A_91 = tpu.memref_slice %arg4[%add3A_15] : memref<320000xi32, #tpu.memory_space<hbm>> -> memref<2000xi32, #tpu.memory_space<hbm>>
        tpu.wait_dma2 semaphore(%run_scoped3A : memref<!tpu.dma_semaphore, #tpu.memory_space<semaphore_mem>>) src(%dma_wait3A_91 : memref<2000xi32, #tpu.memory_space<hbm>>) dst(%arg7 : memref<2000xi32, #tpu.memory_space<vmem>>)
        tpu.yield
      }) : () -> ()
      %dma_start3A = arith.constant 0 : i32
      %dma_start3A_16 = arith.constant 0 : i32
      %dma_start3A_17 = arith.constant 0 : i32
      %dma_start3A_18 = tpu.memref_slice %arg8[%dma_start3A, %dma_start3A_16, %dma_start3A_17] : memref<2x80x256xbf16, #tpu.memory_space<vmem>> -> memref<1x80x256xbf16, #tpu.memory_space<vmem>>
      %dma_start3A_19 = tpu.memref_squeeze %dma_start3A_18 : memref<1x80x256xbf16, #tpu.memory_space<vmem>> -> memref<80x256xbf16, #tpu.memory_space<vmem>>
      %dma_start3A_20 = arith.constant 0 : i32
      %dma_start3A_21 = tpu.memref_slice %arg6[%dma_start3A_20] : memref<2000xi32, #tpu.memory_space<vmem>> -> memref<80xi32, #tpu.memory_space<vmem>>
      %dma_start3A_22 = arith.constant 0 : i32
      %dma_start3A_23 = arith.constant 0 : i32
      %dma_start3A_24 = tpu.memref_slice %arg11[%dma_start3A_22, %dma_start3A_23] : memref<10000x256xbf16, #tpu.memory_space<vmem_shared>> -> memref<10000x256xbf16, #tpu.memory_space<vmem_shared>>
      tpu.enqueue_indirect_dma source(%dma_start3A_24 : memref<10000x256xbf16, #tpu.memory_space<vmem_shared>>) target(%dma_start3A_19 : memref<80x256xbf16, #tpu.memory_space<vmem>>) offsets(%dma_start3A_21 : memref<80xi32, #tpu.memory_space<vmem>>) semaphore(%arg12 : memref<!tpu.dma_semaphore, #tpu.memory_space<semaphore_mem>>)
      %dma_start3A_25 = arith.constant 0 : i32
      %dma_start3A_26 = arith.constant 0 : i32
      %dma_start3A_27 = arith.constant 0 : i32
      %dma_start3A_28 = tpu.memref_slice %arg9[%dma_start3A_25, %dma_start3A_26, %dma_start3A_27] : memref<2x80x256xbf16, #tpu.memory_space<vmem>> -> memref<1x80x256xbf16, #tpu.memory_space<vmem>>
      %dma_start3A_29 = tpu.memref_squeeze %dma_start3A_28 : memref<1x80x256xbf16, #tpu.memory_space<vmem>> -> memref<80x256xbf16, #tpu.memory_space<vmem>>
      %dma_start3A_30 = arith.constant 0 : i32
      %dma_start3A_31 = tpu.memref_slice %arg7[%dma_start3A_30] : memref<2000xi32, #tpu.memory_space<vmem>> -> memref<80xi32, #tpu.memory_space<vmem>>
      %dma_start3A_32 = arith.constant 0 : i32
      %dma_start3A_33 = arith.constant 0 : i32
      %dma_start3A_34 = tpu.memref_slice %arg11[%dma_start3A_32, %dma_start3A_33] : memref<10000x256xbf16, #tpu.memory_space<vmem_shared>> -> memref<10000x256xbf16, #tpu.memory_space<vmem_shared>>
      tpu.enqueue_indirect_dma source(%dma_start3A_34 : memref<10000x256xbf16, #tpu.memory_space<vmem_shared>>) target(%dma_start3A_29 : memref<80x256xbf16, #tpu.memory_space<vmem>>) offsets(%dma_start3A_31 : memref<80xi32, #tpu.memory_space<vmem>>) semaphore(%arg13 : memref<!tpu.dma_semaphore, #tpu.memory_space<semaphore_mem>>)
      %dma_start3A_35 = arith.constant 1 : i32
      %dma_start3A_36 = arith.constant 0 : i32
      %dma_start3A_37 = arith.constant 0 : i32
      %dma_start3A_38 = tpu.memref_slice %arg8[%dma_start3A_35, %dma_start3A_36, %dma_start3A_37] : memref<2x80x256xbf16, #tpu.memory_space<vmem>> -> memref<1x80x256xbf16, #tpu.memory_space<vmem>>
      %dma_start3A_39 = tpu.memref_squeeze %dma_start3A_38 : memref<1x80x256xbf16, #tpu.memory_space<vmem>> -> memref<80x256xbf16, #tpu.memory_space<vmem>>
      %dma_start3A_40 = arith.constant 80 : i32
      %dma_start3A_41 = tpu.memref_slice %arg6[%dma_start3A_40] : memref<2000xi32, #tpu.memory_space<vmem>> -> memref<80xi32, #tpu.memory_space<vmem>>
      %dma_start3A_42 = arith.constant 0 : i32
      %dma_start3A_43 = arith.constant 0 : i32
      %dma_start3A_44 = tpu.memref_slice %arg11[%dma_start3A_42, %dma_start3A_43] : memref<10000x256xbf16, #tpu.memory_space<vmem_shared>> -> memref<10000x256xbf16, #tpu.memory_space<vmem_shared>>
      tpu.enqueue_indirect_dma source(%dma_start3A_44 : memref<10000x256xbf16, #tpu.memory_space<vmem_shared>>) target(%dma_start3A_39 : memref<80x256xbf16, #tpu.memory_space<vmem>>) offsets(%dma_start3A_41 : memref<80xi32, #tpu.memory_space<vmem>>) semaphore(%arg14 : memref<!tpu.dma_semaphore, #tpu.memory_space<semaphore_mem>>)
      %dma_start3A_45 = arith.constant 1 : i32
      %dma_start3A_46 = arith.constant 0 : i32
      %dma_start3A_47 = arith.constant 0 : i32
      %dma_start3A_48 = tpu.memref_slice %arg9[%dma_start3A_45, %dma_start3A_46, %dma_start3A_47] : memref<2x80x256xbf16, #tpu.memory_space<vmem>> -> memref<1x80x256xbf16, #tpu.memory_space<vmem>>
      %dma_start3A_49 = tpu.memref_squeeze %dma_start3A_48 : memref<1x80x256xbf16, #tpu.memory_space<vmem>> -> memref<80x256xbf16, #tpu.memory_space<vmem>>
      %dma_start3A_50 = arith.constant 80 : i32
      %dma_start3A_51 = tpu.memref_slice %arg7[%dma_start3A_50] : memref<2000xi32, #tpu.memory_space<vmem>> -> memref<80xi32, #tpu.memory_space<vmem>>
      %dma_start3A_52 = arith.constant 0 : i32
      %dma_start3A_53 = arith.constant 0 : i32
      %dma_start3A_54 = tpu.memref_slice %arg11[%dma_start3A_52, %dma_start3A_53] : memref<10000x256xbf16, #tpu.memory_space<vmem_shared>> -> memref<10000x256xbf16, #tpu.memory_space<vmem_shared>>
      tpu.enqueue_indirect_dma source(%dma_start3A_54 : memref<10000x256xbf16, #tpu.memory_space<vmem_shared>>) target(%dma_start3A_49 : memref<80x256xbf16, #tpu.memory_space<vmem>>) offsets(%dma_start3A_51 : memref<80xi32, #tpu.memory_space<vmem>>) semaphore(%arg15 : memref<!tpu.dma_semaphore, #tpu.memory_space<semaphore_mem>>)
      %scan3A_55 = arith.constant 0 : i32
      %scan3A_56 = arith.constant 0 : i32
      %scan3A_57 = arith.constant 12 : i32
      %scan3A_58 = arith.addi %scan3A_56, %scan3A_57 : i32
      %scan3A_59 = arith.constant 1 : i32
      scf.for %scan3A_88 = %scan3A_56 to %scan3A_58 step %scan3A_59  : i32 {
        %mul3A_89 = arith.constant 2 : i32
        %mul3A_90 = arith.muli %scan3A_88, %mul3A_89 : i32
        %add3A_91 = arith.constant 0 : i32
        %add3A_92 = arith.addi %mul3A_90, %add3A_91 : i32
        %mul3A_93 = arith.constant 80 : i32
        %mul3A_94 = arith.muli %add3A_92, %mul3A_93 : i32
        %dma_wait3A_95 = arith.constant 0 : i32
        %dma_wait3A_96 = arith.constant 0 : i32
        %dma_wait3A_97 = arith.constant 0 : i32
        %dma_wait3A_98 = tpu.memref_slice %arg8[%dma_wait3A_95, %dma_wait3A_96, %dma_wait3A_97] : memref<2x80x256xbf16, #tpu.memory_space<vmem>> -> memref<1x80x256xbf16, #tpu.memory_space<vmem>>
        %dma_wait3A_99 = tpu.memref_squeeze %dma_wait3A_98 : memref<1x80x256xbf16, #tpu.memory_space<vmem>> -> memref<80x256xbf16, #tpu.memory_space<vmem>>
        %dma_wait3A_100 = tpu.memref_slice %arg6[%mul3A_94] : memref<2000xi32, #tpu.memory_space<vmem>> -> memref<80xi32, #tpu.memory_space<vmem>>
        %dma_wait3A_101 = arith.constant 0 : i32
        %dma_wait3A_102 = arith.constant 0 : i32
        %dma_wait3A_103 = tpu.memref_slice %arg11[%dma_wait3A_101, %dma_wait3A_102] : memref<10000x256xbf16, #tpu.memory_space<vmem_shared>> -> memref<10000x256xbf16, #tpu.memory_space<vmem_shared>>
        tpu.wait_indirect_dma semaphore(%arg12 : memref<!tpu.dma_semaphore, #tpu.memory_space<semaphore_mem>>) src(%dma_wait3A_103 : memref<10000x256xbf16, #tpu.memory_space<vmem_shared>>) dst(%dma_wait3A_99 : memref<80x256xbf16, #tpu.memory_space<vmem>>)
        %dma_wait3A_104 = arith.constant 0 : i32
        %dma_wait3A_105 = arith.constant 0 : i32
        %dma_wait3A_106 = arith.constant 0 : i32
        %dma_wait3A_107 = tpu.memref_slice %arg9[%dma_wait3A_104, %dma_wait3A_105, %dma_wait3A_106] : memref<2x80x256xbf16, #tpu.memory_space<vmem>> -> memref<1x80x256xbf16, #tpu.memory_space<vmem>>
        %dma_wait3A_108 = tpu.memref_squeeze %dma_wait3A_107 : memref<1x80x256xbf16, #tpu.memory_space<vmem>> -> memref<80x256xbf16, #tpu.memory_space<vmem>>
        %dma_wait3A_109 = tpu.memref_slice %arg7[%mul3A_94] : memref<2000xi32, #tpu.memory_space<vmem>> -> memref<80xi32, #tpu.memory_space<vmem>>
        %dma_wait3A_110 = arith.constant 0 : i32
        %dma_wait3A_111 = arith.constant 0 : i32
        %dma_wait3A_112 = tpu.memref_slice %arg11[%dma_wait3A_110, %dma_wait3A_111] : memref<10000x256xbf16, #tpu.memory_space<vmem_shared>> -> memref<10000x256xbf16, #tpu.memory_space<vmem_shared>>
        tpu.wait_indirect_dma semaphore(%arg13 : memref<!tpu.dma_semaphore, #tpu.memory_space<semaphore_mem>>) src(%dma_wait3A_112 : memref<10000x256xbf16, #tpu.memory_space<vmem_shared>>) dst(%dma_wait3A_108 : memref<80x256xbf16, #tpu.memory_space<vmem>>)
        %scan3A_113 = arith.constant 0 : i32
        %scan3A_114 = arith.constant 0 : i32
        %scan3A_115 = arith.constant 0 : i32
        %scan3A_116 = arith.constant 0 : i32
        %scan3A_117 = arith.constant 5 : i32
        %scan3A_118 = arith.addi %scan3A_116, %scan3A_117 : i32
        %scan3A_119 = arith.constant 1 : i32
        scf.for %scan3A_164 = %scan3A_116 to %scan3A_118 step %scan3A_119  : i32 {
          %broadcast_in_dim3A = arith.constant 0.000000e+00 : f32
          %broadcast_in_dim3A_165 = vector.broadcast %broadcast_in_dim3A : f32 to vector<16xf32>
          %scan3A_166 = arith.constant 0 : i32
          %scan3A_167 = arith.constant 16 : i32
          %scan3A_168 = arith.addi %scan3A_166, %scan3A_167 : i32
          %scan3A_169 = arith.constant 1 : i32
          %scan3A_170 = scf.for %scan3A_178 = %scan3A_166 to %scan3A_168 step %scan3A_169 iter_args(%scan3A_179 = %broadcast_in_dim3A_165) -> (vector<16xf32>)  : i32 {
            %mul3A_180 = arith.constant 16 : i32
            %mul3A_181 = arith.muli %scan3A_164, %mul3A_180 : i32
            %add3A_182 = arith.addi %mul3A_181, %scan3A_178 : i32
            %broadcast_in_dim3A_183 = arith.constant 0.000000e+00 : f32
            %broadcast_in_dim3A_184 = vector.broadcast %broadcast_in_dim3A_183 : f32 to vector<16xf32>
            %broadcast_in_dim3A_185 = arith.constant 0.000000e+00 : f32
            %broadcast_in_dim3A_186 = vector.broadcast %broadcast_in_dim3A_185 : f32 to vector<16xf32>
            %broadcast_in_dim3A_187 = arith.constant 0.000000e+00 : f32
            %broadcast_in_dim3A_188 = vector.broadcast %broadcast_in_dim3A_187 : f32 to vector<16xf32>
            %broadcast_in_dim3A_189 = arith.constant 0.000000e+00 : f32
            %broadcast_in_dim3A_190 = vector.broadcast %broadcast_in_dim3A_189 : f32 to vector<16xf32>
            %get3A = arith.constant 0 : i32
            %get3A_191 = arith.constant 0 : i32
            %get3A_192 = tpu.memref_slice %arg8[%scan3A_114, %get3A, %get3A_191] : memref<2x80x256xbf16, #tpu.memory_space<vmem>> -> memref<1x80x256xbf16, #tpu.memory_space<vmem>>
            %get3A_193 = tpu.memref_squeeze %get3A_192 : memref<1x80x256xbf16, #tpu.memory_space<vmem>> -> memref<80x256xbf16, #tpu.memory_space<vmem>>
            %get3A_194 = arith.index_cast %add3A_182 : i32 to index
            %get3A_195 = arith.constant 0 : index
            %get3A_196 = tpu.vector_load %get3A_193[%get3A_194, %get3A_195] {strides = array<i32>} : memref<80x256xbf16, #tpu.memory_space<vmem>>, vector<32xbf16>,
            %get3A_197 = arith.constant 0 : i32
            %get3A_198 = arith.constant 0 : i32
            %get3A_199 = tpu.memref_slice %arg9[%scan3A_115, %get3A_197, %get3A_198] : memref<2x80x256xbf16, #tpu.memory_space<vmem>> -> memref<1x80x256xbf16, #tpu.memory_space<vmem>>
            %get3A_200 = tpu.memref_squeeze %get3A_199 : memref<1x80x256xbf16, #tpu.memory_space<vmem>> -> memref<80x256xbf16, #tpu.memory_space<vmem>>
            %get3A_201 = arith.index_cast %add3A_182 : i32 to index
            %get3A_202 = arith.constant 0 : index
            %get3A_203 = tpu.vector_load %get3A_200[%get3A_201, %get3A_202] {strides = array<i32>} : memref<80x256xbf16, #tpu.memory_space<vmem>>, vector<32xbf16>,
            %mul3A_204 = arith.mulf %get3A_196, %get3A_203 : vector<32xbf16>
            %unpack3A = tpu.unpack_subelements %mul3A_204, 0 {pack_format = #tpu.pack_format<interleaved>} : vector<32xbf16> -> vector<16xf32>
            %unpack3A_205 = tpu.unpack_subelements %mul3A_204, 1 {pack_format = #tpu.pack_format<interleaved>} : vector<32xbf16> -> vector<16xf32>
            %add3A_206 = arith.addf %broadcast_in_dim3A_184, %unpack3A : vector<16xf32>
            %add3A_207 = arith.addf %broadcast_in_dim3A_186, %unpack3A_205 : vector<16xf32>
            %get3A_208 = arith.constant 0 : i32
            %get3A_209 = arith.constant 0 : i32
            %get3A_210 = tpu.memref_slice %arg8[%scan3A_114, %get3A_208, %get3A_209] : memref<2x80x256xbf16, #tpu.memory_space<vmem>> -> memref<1x80x256xbf16, #tpu.memory_space<vmem>>
            %get3A_211 = tpu.memref_squeeze %get3A_210 : memref<1x80x256xbf16, #tpu.memory_space<vmem>> -> memref<80x256xbf16, #tpu.memory_space<vmem>>
            %get3A_212 = arith.index_cast %add3A_182 : i32 to index
            %get3A_213 = arith.constant 32 : index
            %get3A_214 = tpu.vector_load %get3A_211[%get3A_212, %get3A_213] {strides = array<i32>} : memref<80x256xbf16, #tpu.memory_space<vmem>>, vector<32xbf16>,
            %get3A_215 = arith.constant 0 : i32
            %get3A_216 = arith.constant 0 : i32
            %get3A_217 = tpu.memref_slice %arg9[%scan3A_115, %get3A_215, %get3A_216] : memref<2x80x256xbf16, #tpu.memory_space<vmem>> -> memref<1x80x256xbf16, #tpu.memory_space<vmem>>
            %get3A_218 = tpu.memref_squeeze %get3A_217 : memref<1x80x256xbf16, #tpu.memory_space<vmem>> -> memref<80x256xbf16, #tpu.memory_space<vmem>>
            %get3A_219 = arith.index_cast %add3A_182 : i32 to index
            %get3A_220 = arith.constant 32 : index
            %get3A_221 = tpu.vector_load %get3A_218[%get3A_219, %get3A_220] {strides = array<i32>} : memref<80x256xbf16, #tpu.memory_space<vmem>>, vector<32xbf16>,
            %mul3A_222 = arith.mulf %get3A_214, %get3A_221 : vector<32xbf16>
            %unpack3A_223 = tpu.unpack_subelements %mul3A_222, 0 {pack_format = #tpu.pack_format<interleaved>} : vector<32xbf16> -> vector<16xf32>
            %unpack3A_224 = tpu.unpack_subelements %mul3A_222, 1 {pack_format = #tpu.pack_format<interleaved>} : vector<32xbf16> -> vector<16xf32>
            %add3A_225 = arith.addf %broadcast_in_dim3A_188, %unpack3A_223 : vector<16xf32>
            %add3A_226 = arith.addf %broadcast_in_dim3A_190, %unpack3A_224 : vector<16xf32>
            %get3A_227 = arith.constant 0 : i32
            %get3A_228 = arith.constant 0 : i32
            %get3A_229 = tpu.memref_slice %arg8[%scan3A_114, %get3A_227, %get3A_228] : memref<2x80x256xbf16, #tpu.memory_space<vmem>> -> memref<1x80x256xbf16, #tpu.memory_space<vmem>>
            %get3A_230 = tpu.memref_squeeze %get3A_229 : memref<1x80x256xbf16, #tpu.memory_space<vmem>> -> memref<80x256xbf16, #tpu.memory_space<vmem>>
            %get3A_231 = arith.index_cast %add3A_182 : i32 to index
            %get3A_232 = arith.constant 64 : index
            %get3A_233 = tpu.vector_load %get3A_230[%get3A_231, %get3A_232] {strides = array<i32>} : memref<80x256xbf16, #tpu.memory_space<vmem>>, vector<32xbf16>,
            %get3A_234 = arith.constant 0 : i32
            %get3A_235 = arith.constant 0 : i32
            %get3A_236 = tpu.memref_slice %arg9[%scan3A_115, %get3A_234, %get3A_235] : memref<2x80x256xbf16, #tpu.memory_space<vmem>> -> memref<1x80x256xbf16, #tpu.memory_space<vmem>>
            %get3A_237 = tpu.memref_squeeze %get3A_236 : memref<1x80x256xbf16, #tpu.memory_space<vmem>> -> memref<80x256xbf16, #tpu.memory_space<vmem>>
            %get3A_238 = arith.index_cast %add3A_182 : i32 to index
            %get3A_239 = arith.constant 64 : index
            %get3A_240 = tpu.vector_load %get3A_237[%get3A_238, %get3A_239] {strides = array<i32>} : memref<80x256xbf16, #tpu.memory_space<vmem>>, vector<32xbf16>,
            %mul3A_241 = arith.mulf %get3A_233, %get3A_240 : vector<32xbf16>
            %unpack3A_242 = tpu.unpack_subelements %mul3A_241, 0 {pack_format = #tpu.pack_format<interleaved>} : vector<32xbf16> -> vector<16xf32>
            %unpack3A_243 = tpu.unpack_subelements %mul3A_241, 1 {pack_format = #tpu.pack_format<interleaved>} : vector<32xbf16> -> vector<16xf32>
            %add3A_244 = arith.addf %add3A_206, %unpack3A_242 : vector<16xf32>
            %add3A_245 = arith.addf %add3A_207, %unpack3A_243 : vector<16xf32>
            %get3A_246 = arith.constant 0 : i32
            %get3A_247 = arith.constant 0 : i32
            %get3A_248 = tpu.memref_slice %arg8[%scan3A_114, %get3A_246, %get3A_247] : memref<2x80x256xbf16, #tpu.memory_space<vmem>> -> memref<1x80x256xbf16, #tpu.memory_space<vmem>>
            %get3A_249 = tpu.memref_squeeze %get3A_248 : memref<1x80x256xbf16, #tpu.memory_space<vmem>> -> memref<80x256xbf16, #tpu.memory_space<vmem>>
            %get3A_250 = arith.index_cast %add3A_182 : i32 to index
            %get3A_251 = arith.constant 96 : index
            %get3A_252 = tpu.vector_load %get3A_249[%get3A_250, %get3A_251] {strides = array<i32>} : memref<80x256xbf16, #tpu.memory_space<vmem>>, vector<32xbf16>,
            %get3A_253 = arith.constant 0 : i32
            %get3A_254 = arith.constant 0 : i32
            %get3A_255 = tpu.memref_slice %arg9[%scan3A_115, %get3A_253, %get3A_254] : memref<2x80x256xbf16, #tpu.memory_space<vmem>> -> memref<1x80x256xbf16, #tpu.memory_space<vmem>>
            %get3A_256 = tpu.memref_squeeze %get3A_255 : memref<1x80x256xbf16, #tpu.memory_space<vmem>> -> memref<80x256xbf16, #tpu.memory_space<vmem>>
            %get3A_257 = arith.index_cast %add3A_182 : i32 to index
            %get3A_258 = arith.constant 96 : index
            %get3A_259 = tpu.vector_load %get3A_256[%get3A_257, %get3A_258] {strides = array<i32>} : memref<80x256xbf16, #tpu.memory_space<vmem>>, vector<32xbf16>,
            %mul3A_260 = arith.mulf %get3A_252, %get3A_259 : vector<32xbf16>
            %unpack3A_261 = tpu.unpack_subelements %mul3A_260, 0 {pack_format = #tpu.pack_format<interleaved>} : vector<32xbf16> -> vector<16xf32>
            %unpack3A_262 = tpu.unpack_subelements %mul3A_260, 1 {pack_format = #tpu.pack_format<interleaved>} : vector<32xbf16> -> vector<16xf32>
            %add3A_263 = arith.addf %add3A_225, %unpack3A_261 : vector<16xf32>
            %add3A_264 = arith.addf %add3A_226, %unpack3A_262 : vector<16xf32>
            %get3A_265 = arith.constant 0 : i32
            %get3A_266 = arith.constant 0 : i32
            %get3A_267 = tpu.memref_slice %arg8[%scan3A_114, %get3A_265, %get3A_266] : memref<2x80x256xbf16, #tpu.memory_space<vmem>> -> memref<1x80x256xbf16, #tpu.memory_space<vmem>>
            %get3A_268 = tpu.memref_squeeze %get3A_267 : memref<1x80x256xbf16, #tpu.memory_space<vmem>> -> memref<80x256xbf16, #tpu.memory_space<vmem>>
            %get3A_269 = arith.index_cast %add3A_182 : i32 to index
            %get3A_270 = arith.constant 128 : index
            %get3A_271 = tpu.vector_load %get3A_268[%get3A_269, %get3A_270] {strides = array<i32>} : memref<80x256xbf16, #tpu.memory_space<vmem>>, vector<32xbf16>,
            %get3A_272 = arith.constant 0 : i32
            %get3A_273 = arith.constant 0 : i32
            %get3A_274 = tpu.memref_slice %arg9[%scan3A_115, %get3A_272, %get3A_273] : memref<2x80x256xbf16, #tpu.memory_space<vmem>> -> memref<1x80x256xbf16, #tpu.memory_space<vmem>>
            %get3A_275 = tpu.memref_squeeze %get3A_274 : memref<1x80x256xbf16, #tpu.memory_space<vmem>> -> memref<80x256xbf16, #tpu.memory_space<vmem>>
            %get3A_276 = arith.index_cast %add3A_182 : i32 to index
            %get3A_277 = arith.constant 128 : index
            %get3A_278 = tpu.vector_load %get3A_275[%get3A_276, %get3A_277] {strides = array<i32>} : memref<80x256xbf16, #tpu.memory_space<vmem>>, vector<32xbf16>,
            %mul3A_279 = arith.mulf %get3A_271, %get3A_278 : vector<32xbf16>
            %unpack3A_280 = tpu.unpack_subelements %mul3A_279, 0 {pack_format = #tpu.pack_format<interleaved>} : vector<32xbf16> -> vector<16xf32>
            %unpack3A_281 = tpu.unpack_subelements %mul3A_279, 1 {pack_format = #tpu.pack_format<interleaved>} : vector<32xbf16> -> vector<16xf32>
            %add3A_282 = arith.addf %add3A_244, %unpack3A_280 : vector<16xf32>
            %add3A_283 = arith.addf %add3A_245, %unpack3A_281 : vector<16xf32>
            %get3A_284 = arith.constant 0 : i32
            %get3A_285 = arith.constant 0 : i32
            %get3A_286 = tpu.memref_slice %arg8[%scan3A_114, %get3A_284, %get3A_285] : memref<2x80x256xbf16, #tpu.memory_space<vmem>> -> memref<1x80x256xbf16, #tpu.memory_space<vmem>>
            %get3A_287 = tpu.memref_squeeze %get3A_286 : memref<1x80x256xbf16, #tpu.memory_space<vmem>> -> memref<80x256xbf16, #tpu.memory_space<vmem>>
            %get3A_288 = arith.index_cast %add3A_182 : i32 to index
            %get3A_289 = arith.constant 160 : index
            %get3A_290 = tpu.vector_load %get3A_287[%get3A_288, %get3A_289] {strides = array<i32>} : memref<80x256xbf16, #tpu.memory_space<vmem>>, vector<32xbf16>,
            %get3A_291 = arith.constant 0 : i32
            %get3A_292 = arith.constant 0 : i32
            %get3A_293 = tpu.memref_slice %arg9[%scan3A_115, %get3A_291, %get3A_292] : memref<2x80x256xbf16, #tpu.memory_space<vmem>> -> memref<1x80x256xbf16, #tpu.memory_space<vmem>>
            %get3A_294 = tpu.memref_squeeze %get3A_293 : memref<1x80x256xbf16, #tpu.memory_space<vmem>> -> memref<80x256xbf16, #tpu.memory_space<vmem>>
            %get3A_295 = arith.index_cast %add3A_182 : i32 to index
            %get3A_296 = arith.constant 160 : index
            %get3A_297 = tpu.vector_load %get3A_294[%get3A_295, %get3A_296] {strides = array<i32>} : memref<80x256xbf16, #tpu.memory_space<vmem>>, vector<32xbf16>,
            %mul3A_298 = arith.mulf %get3A_290, %get3A_297 : vector<32xbf16>
            %unpack3A_299 = tpu.unpack_subelements %mul3A_298, 0 {pack_format = #tpu.pack_format<interleaved>} : vector<32xbf16> -> vector<16xf32>
            %unpack3A_300 = tpu.unpack_subelements %mul3A_298, 1 {pack_format = #tpu.pack_format<interleaved>} : vector<32xbf16> -> vector<16xf32>
            %add3A_301 = arith.addf %add3A_263, %unpack3A_299 : vector<16xf32>
            %add3A_302 = arith.addf %add3A_264, %unpack3A_300 : vector<16xf32>
            %get3A_303 = arith.constant 0 : i32
            %get3A_304 = arith.constant 0 : i32
            %get3A_305 = tpu.memref_slice %arg8[%scan3A_114, %get3A_303, %get3A_304] : memref<2x80x256xbf16, #tpu.memory_space<vmem>> -> memref<1x80x256xbf16, #tpu.memory_space<vmem>>
            %get3A_306 = tpu.memref_squeeze %get3A_305 : memref<1x80x256xbf16, #tpu.memory_space<vmem>> -> memref<80x256xbf16, #tpu.memory_space<vmem>>
            %get3A_307 = arith.index_cast %add3A_182 : i32 to index
            %get3A_308 = arith.constant 192 : index
            %get3A_309 = tpu.vector_load %get3A_306[%get3A_307, %get3A_308] {strides = array<i32>} : memref<80x256xbf16, #tpu.memory_space<vmem>>, vector<32xbf16>,
            %get3A_310 = arith.constant 0 : i32
            %get3A_311 = arith.constant 0 : i32
            %get3A_312 = tpu.memref_slice %arg9[%scan3A_115, %get3A_310, %get3A_311] : memref<2x80x256xbf16, #tpu.memory_space<vmem>> -> memref<1x80x256xbf16, #tpu.memory_space<vmem>>
            %get3A_313 = tpu.memref_squeeze %get3A_312 : memref<1x80x256xbf16, #tpu.memory_space<vmem>> -> memref<80x256xbf16, #tpu.memory_space<vmem>>
            %get3A_314 = arith.index_cast %add3A_182 : i32 to index
            %get3A_315 = arith.constant 192 : index
            %get3A_316 = tpu.vector_load %get3A_313[%get3A_314, %get3A_315] {strides = array<i32>} : memref<80x256xbf16, #tpu.memory_space<vmem>>, vector<32xbf16>,
            %mul3A_317 = arith.mulf %get3A_309, %get3A_316 : vector<32xbf16>
            %unpack3A_318 = tpu.unpack_subelements %mul3A_317, 0 {pack_format = #tpu.pack_format<interleaved>} : vector<32xbf16> -> vector<16xf32>
            %unpack3A_319 = tpu.unpack_subelements %mul3A_317, 1 {pack_format = #tpu.pack_format<interleaved>} : vector<32xbf16> -> vector<16xf32>
            %add3A_320 = arith.addf %add3A_282, %unpack3A_318 : vector<16xf32>
            %add3A_321 = arith.addf %add3A_283, %unpack3A_319 : vector<16xf32>
            %get3A_322 = arith.constant 0 : i32
            %get3A_323 = arith.constant 0 : i32
            %get3A_324 = tpu.memref_slice %arg8[%scan3A_114, %get3A_322, %get3A_323] : memref<2x80x256xbf16, #tpu.memory_space<vmem>> -> memref<1x80x256xbf16, #tpu.memory_space<vmem>>
            %get3A_325 = tpu.memref_squeeze %get3A_324 : memref<1x80x256xbf16, #tpu.memory_space<vmem>> -> memref<80x256xbf16, #tpu.memory_space<vmem>>
            %get3A_326 = arith.index_cast %add3A_182 : i32 to index
            %get3A_327 = arith.constant 224 : index
            %get3A_328 = tpu.vector_load %get3A_325[%get3A_326, %get3A_327] {strides = array<i32>} : memref<80x256xbf16, #tpu.memory_space<vmem>>, vector<32xbf16>,
            %get3A_329 = arith.constant 0 : i32
            %get3A_330 = arith.constant 0 : i32
            %get3A_331 = tpu.memref_slice %arg9[%scan3A_115, %get3A_329, %get3A_330] : memref<2x80x256xbf16, #tpu.memory_space<vmem>> -> memref<1x80x256xbf16, #tpu.memory_space<vmem>>
            %get3A_332 = tpu.memref_squeeze %get3A_331 : memref<1x80x256xbf16, #tpu.memory_space<vmem>> -> memref<80x256xbf16, #tpu.memory_space<vmem>>
            %get3A_333 = arith.index_cast %add3A_182 : i32 to index
            %get3A_334 = arith.constant 224 : index
            %get3A_335 = tpu.vector_load %get3A_332[%get3A_333, %get3A_334] {strides = array<i32>} : memref<80x256xbf16, #tpu.memory_space<vmem>>, vector<32xbf16>,
            %mul3A_336 = arith.mulf %get3A_328, %get3A_335 : vector<32xbf16>
            %unpack3A_337 = tpu.unpack_subelements %mul3A_336, 0 {pack_format = #tpu.pack_format<interleaved>} : vector<32xbf16> -> vector<16xf32>
            %unpack3A_338 = tpu.unpack_subelements %mul3A_336, 1 {pack_format = #tpu.pack_format<interleaved>} : vector<32xbf16> -> vector<16xf32>
            %add3A_339 = arith.addf %add3A_301, %unpack3A_337 : vector<16xf32>
            %add3A_340 = arith.addf %add3A_302, %unpack3A_338 : vector<16xf32>
            %add3A_341 = arith.addf %add3A_320, %add3A_321 : vector<16xf32>
            %add3A_342 = arith.addf %add3A_339, %add3A_340 : vector<16xf32>
            %add3A_343 = arith.addf %add3A_341, %add3A_342 : vector<16xf32>
            %eq3A = vector.broadcast %scan3A_178 : i32 to vector<16xi32>
            %eq3A_344 = arith.cmpi eq, %iota3A, %eq3A : vector<16xi32>
            %reduce_sum3A = arith.constant true
            %reduce_sum3A_345 = vector.broadcast %reduce_sum3A : i1 to vector<16xi1>
            %reduce_sum3A_346 = tpu.scan <sum>, %add3A_343 masked %reduce_sum3A_345 : vector<16xf32>, vector<16xi1> -> vector<16xf32>
            %reduce_sum3A_347 = vector.extract %reduce_sum3A_346[15] : f32 from vector<16xf32>
            %broadcast_in_dim3A_348 = vector.broadcast %reduce_sum3A_347 : f32 to vector<16xf32>
            %select_n3A = arith.select %eq3A_344, %broadcast_in_dim3A_348, %scan3A_179 : vector<16xi1>, vector<16xf32>
            scf.yield %select_n3A : vector<16xf32>
          }
          %scan3A_171 = arith.constant 16 : i32
          %mul3A_172 = arith.constant 80 : i32
          %mul3A_173 = arith.muli %add3A_92, %mul3A_172 : i32
          %mul3A_174 = arith.constant 16 : i32
          %mul3A_175 = arith.muli %scan3A_164, %mul3A_174 : i32
          %add3A_176 = arith.addi %mul3A_173, %mul3A_175 : i32
          %swap3A = arith.index_cast %add3A_176 : i32 to index
          %swap3A_177 = tpu.vector_load %arg10[%swap3A] {strides = array<i32>} : memref<2000xf32, #tpu.memory_space<vmem>>, vector<16xf32>,
          tpu.vector_store %arg10[%swap3A], %scan3A_170 {strides = array<i32>} : memref<2000xf32, #tpu.memory_space<vmem>>, vector<16xf32>,
        }
        %scan3A_120 = arith.constant 5 : i32
        %add3A_121 = arith.constant 2 : i32
        %add3A_122 = arith.addi %add3A_92, %add3A_121 : i32
        %lt3A = arith.constant 25 : i32
        %lt3A_123 = arith.cmpi slt, %add3A_122, %lt3A : i32
        %convert_element_type3A = arith.extui %lt3A_123 : i1 to i32
        %cond3A = arith.constant 0 : i32
        %cond3A_124 = arith.cmpi ne, %convert_element_type3A, %cond3A : i32
        scf.if %cond3A_124 {
          %add3A_164 = arith.constant 2 : i32
          %add3A_165 = arith.addi %add3A_92, %add3A_164 : i32
          %mul3A_166 = arith.constant 80 : i32
          %mul3A_167 = arith.muli %add3A_165, %mul3A_166 : i32
          %dma_start3A_168 = arith.constant 0 : i32
          %dma_start3A_169 = arith.constant 0 : i32
          %dma_start3A_170 = arith.constant 0 : i32
          %dma_start3A_171 = tpu.memref_slice %arg8[%dma_start3A_168, %dma_start3A_169, %dma_start3A_170] : memref<2x80x256xbf16, #tpu.memory_space<vmem>> -> memref<1x80x256xbf16, #tpu.memory_space<vmem>>
          %dma_start3A_172 = tpu.memref_squeeze %dma_start3A_171 : memref<1x80x256xbf16, #tpu.memory_space<vmem>> -> memref<80x256xbf16, #tpu.memory_space<vmem>>
          %dma_start3A_173 = tpu.memref_slice %arg6[%mul3A_167] : memref<2000xi32, #tpu.memory_space<vmem>> -> memref<80xi32, #tpu.memory_space<vmem>>
          %dma_start3A_174 = arith.constant 0 : i32
          %dma_start3A_175 = arith.constant 0 : i32
          %dma_start3A_176 = tpu.memref_slice %arg11[%dma_start3A_174, %dma_start3A_175] : memref<10000x256xbf16, #tpu.memory_space<vmem_shared>> -> memref<10000x256xbf16, #tpu.memory_space<vmem_shared>>
          tpu.enqueue_indirect_dma source(%dma_start3A_176 : memref<10000x256xbf16, #tpu.memory_space<vmem_shared>>) target(%dma_start3A_172 : memref<80x256xbf16, #tpu.memory_space<vmem>>) offsets(%dma_start3A_173 : memref<80xi32, #tpu.memory_space<vmem>>) semaphore(%arg12 : memref<!tpu.dma_semaphore, #tpu.memory_space<semaphore_mem>>)
          %dma_start3A_177 = arith.constant 0 : i32
          %dma_start3A_178 = arith.constant 0 : i32
          %dma_start3A_179 = arith.constant 0 : i32
          %dma_start3A_180 = tpu.memref_slice %arg9[%dma_start3A_177, %dma_start3A_178, %dma_start3A_179] : memref<2x80x256xbf16, #tpu.memory_space<vmem>> -> memref<1x80x256xbf16, #tpu.memory_space<vmem>>
          %dma_start3A_181 = tpu.memref_squeeze %dma_start3A_180 : memref<1x80x256xbf16, #tpu.memory_space<vmem>> -> memref<80x256xbf16, #tpu.memory_space<vmem>>
          %dma_start3A_182 = tpu.memref_slice %arg7[%mul3A_167] : memref<2000xi32, #tpu.memory_space<vmem>> -> memref<80xi32, #tpu.memory_space<vmem>>
          %dma_start3A_183 = arith.constant 0 : i32
          %dma_start3A_184 = arith.constant 0 : i32
          %dma_start3A_185 = tpu.memref_slice %arg11[%dma_start3A_183, %dma_start3A_184] : memref<10000x256xbf16, #tpu.memory_space<vmem_shared>> -> memref<10000x256xbf16, #tpu.memory_space<vmem_shared>>
          tpu.enqueue_indirect_dma source(%dma_start3A_185 : memref<10000x256xbf16, #tpu.memory_space<vmem_shared>>) target(%dma_start3A_181 : memref<80x256xbf16, #tpu.memory_space<vmem>>) offsets(%dma_start3A_182 : memref<80xi32, #tpu.memory_space<vmem>>) semaphore(%arg13 : memref<!tpu.dma_semaphore, #tpu.memory_space<semaphore_mem>>)
        } else {
        }
        %mul3A_125 = arith.constant 2 : i32
        %mul3A_126 = arith.muli %scan3A_88, %mul3A_125 : i32
        %add3A_127 = arith.constant 1 : i32
        %add3A_128 = arith.addi %mul3A_126, %add3A_127 : i32
        %mul3A_129 = arith.constant 80 : i32
        %mul3A_130 = arith.muli %add3A_128, %mul3A_129 : i32
        %dma_wait3A_131 = arith.constant 1 : i32
        %dma_wait3A_132 = arith.constant 0 : i32
        %dma_wait3A_133 = arith.constant 0 : i32
        %dma_wait3A_134 = tpu.memref_slice %arg8[%dma_wait3A_131, %dma_wait3A_132, %dma_wait3A_133] : memref<2x80x256xbf16, #tpu.memory_space<vmem>> -> memref<1x80x256xbf16, #tpu.memory_space<vmem>>
        %dma_wait3A_135 = tpu.memref_squeeze %dma_wait3A_134 : memref<1x80x256xbf16, #tpu.memory_space<vmem>> -> memref<80x256xbf16, #tpu.memory_space<vmem>>
        %dma_wait3A_136 = tpu.memref_slice %arg6[%mul3A_130] : memref<2000xi32, #tpu.memory_space<vmem>> -> memref<80xi32, #tpu.memory_space<vmem>>
        %dma_wait3A_137 = arith.constant 0 : i32
        %dma_wait3A_138 = arith.constant 0 : i32
        %dma_wait3A_139 = tpu.memref_slice %arg11[%dma_wait3A_137, %dma_wait3A_138] : memref<10000x256xbf16, #tpu.memory_space<vmem_shared>> -> memref<10000x256xbf16, #tpu.memory_space<vmem_shared>>
        tpu.wait_indirect_dma semaphore(%arg14 : memref<!tpu.dma_semaphore, #tpu.memory_space<semaphore_mem>>) src(%dma_wait3A_139 : memref<10000x256xbf16, #tpu.memory_space<vmem_shared>>) dst(%dma_wait3A_135 : memref<80x256xbf16, #tpu.memory_space<vmem>>)
        %dma_wait3A_140 = arith.constant 1 : i32
        %dma_wait3A_141 = arith.constant 0 : i32
        %dma_wait3A_142 = arith.constant 0 : i32
        %dma_wait3A_143 = tpu.memref_slice %arg9[%dma_wait3A_140, %dma_wait3A_141, %dma_wait3A_142] : memref<2x80x256xbf16, #tpu.memory_space<vmem>> -> memref<1x80x256xbf16, #tpu.memory_space<vmem>>
        %dma_wait3A_144 = tpu.memref_squeeze %dma_wait3A_143 : memref<1x80x256xbf16, #tpu.memory_space<vmem>> -> memref<80x256xbf16, #tpu.memory_space<vmem>>
        %dma_wait3A_145 = tpu.memref_slice %arg7[%mul3A_130] : memref<2000xi32, #tpu.memory_space<vmem>> -> memref<80xi32, #tpu.memory_space<vmem>>
        %dma_wait3A_146 = arith.constant 0 : i32
        %dma_wait3A_147 = arith.constant 0 : i32
        %dma_wait3A_148 = tpu.memref_slice %arg11[%dma_wait3A_146, %dma_wait3A_147] : memref<10000x256xbf16, #tpu.memory_space<vmem_shared>> -> memref<10000x256xbf16, #tpu.memory_space<vmem_shared>>
        tpu.wait_indirect_dma semaphore(%arg15 : memref<!tpu.dma_semaphore, #tpu.memory_space<semaphore_mem>>) src(%dma_wait3A_148 : memref<10000x256xbf16, #tpu.memory_space<vmem_shared>>) dst(%dma_wait3A_144 : memref<80x256xbf16, #tpu.memory_space<vmem>>)
        %scan3A_149 = arith.constant 0 : i32
        %scan3A_150 = arith.constant 1 : i32
        %scan3A_151 = arith.constant 1 : i32
        %scan3A_152 = arith.constant 0 : i32
        %scan3A_153 = arith.constant 5 : i32
        %scan3A_154 = arith.addi %scan3A_152, %scan3A_153 : i32
        %scan3A_155 = arith.constant 1 : i32
        scf.for %scan3A_164 = %scan3A_152 to %scan3A_154 step %scan3A_155  : i32 {
          %broadcast_in_dim3A = arith.constant 0.000000e+00 : f32
          %broadcast_in_dim3A_165 = vector.broadcast %broadcast_in_dim3A : f32 to vector<16xf32>
          %scan3A_166 = arith.constant 0 : i32
          %scan3A_167 = arith.constant 16 : i32
          %scan3A_168 = arith.addi %scan3A_166, %scan3A_167 : i32
          %scan3A_169 = arith.constant 1 : i32
          %scan3A_170 = scf.for %scan3A_178 = %scan3A_166 to %scan3A_168 step %scan3A_169 iter_args(%scan3A_179 = %broadcast_in_dim3A_165) -> (vector<16xf32>)  : i32 {
            %mul3A_180 = arith.constant 16 : i32
            %mul3A_181 = arith.muli %scan3A_164, %mul3A_180 : i32
            %add3A_182 = arith.addi %mul3A_181, %scan3A_178 : i32
            %broadcast_in_dim3A_183 = arith.constant 0.000000e+00 : f32
            %broadcast_in_dim3A_184 = vector.broadcast %broadcast_in_dim3A_183 : f32 to vector<16xf32>
            %broadcast_in_dim3A_185 = arith.constant 0.000000e+00 : f32
            %broadcast_in_dim3A_186 = vector.broadcast %broadcast_in_dim3A_185 : f32 to vector<16xf32>
            %broadcast_in_dim3A_187 = arith.constant 0.000000e+00 : f32
            %broadcast_in_dim3A_188 = vector.broadcast %broadcast_in_dim3A_187 : f32 to vector<16xf32>
            %broadcast_in_dim3A_189 = arith.constant 0.000000e+00 : f32
            %broadcast_in_dim3A_190 = vector.broadcast %broadcast_in_dim3A_189 : f32 to vector<16xf32>
            %get3A = arith.constant 0 : i32
            %get3A_191 = arith.constant 0 : i32
            %get3A_192 = tpu.memref_slice %arg8[%scan3A_150, %get3A, %get3A_191] : memref<2x80x256xbf16, #tpu.memory_space<vmem>> -> memref<1x80x256xbf16, #tpu.memory_space<vmem>>
            %get3A_193 = tpu.memref_squeeze %get3A_192 : memref<1x80x256xbf16, #tpu.memory_space<vmem>> -> memref<80x256xbf16, #tpu.memory_space<vmem>>
            %get3A_194 = arith.index_cast %add3A_182 : i32 to index
            %get3A_195 = arith.constant 0 : index
            %get3A_196 = tpu.vector_load %get3A_193[%get3A_194, %get3A_195] {strides = array<i32>} : memref<80x256xbf16, #tpu.memory_space<vmem>>, vector<32xbf16>,
            %get3A_197 = arith.constant 0 : i32
            %get3A_198 = arith.constant 0 : i32
            %get3A_199 = tpu.memref_slice %arg9[%scan3A_151, %get3A_197, %get3A_198] : memref<2x80x256xbf16, #tpu.memory_space<vmem>> -> memref<1x80x256xbf16, #tpu.memory_space<vmem>>
            %get3A_200 = tpu.memref_squeeze %get3A_199 : memref<1x80x256xbf16, #tpu.memory_space<vmem>> -> memref<80x256xbf16, #tpu.memory_space<vmem>>
            %get3A_201 = arith.index_cast %add3A_182 : i32 to index
            %get3A_202 = arith.constant 0 : index
            %get3A_203 = tpu.vector_load %get3A_200[%get3A_201, %get3A_202] {strides = array<i32>} : memref<80x256xbf16, #tpu.memory_space<vmem>>, vector<32xbf16>,
            %mul3A_204 = arith.mulf %get3A_196, %get3A_203 : vector<32xbf16>
            %unpack3A = tpu.unpack_subelements %mul3A_204, 0 {pack_format = #tpu.pack_format<interleaved>} : vector<32xbf16> -> vector<16xf32>
            %unpack3A_205 = tpu.unpack_subelements %mul3A_204, 1 {pack_format = #tpu.pack_format<interleaved>} : vector<32xbf16> -> vector<16xf32>
            %add3A_206 = arith.addf %broadcast_in_dim3A_184, %unpack3A : vector<16xf32>
            %add3A_207 = arith.addf %broadcast_in_dim3A_186, %unpack3A_205 : vector<16xf32>
            %get3A_208 = arith.constant 0 : i32
            %get3A_209 = arith.constant 0 : i32
            %get3A_210 = tpu.memref_slice %arg8[%scan3A_150, %get3A_208, %get3A_209] : memref<2x80x256xbf16, #tpu.memory_space<vmem>> -> memref<1x80x256xbf16, #tpu.memory_space<vmem>>
            %get3A_211 = tpu.memref_squeeze %get3A_210 : memref<1x80x256xbf16, #tpu.memory_space<vmem>> -> memref<80x256xbf16, #tpu.memory_space<vmem>>
            %get3A_212 = arith.index_cast %add3A_182 : i32 to index
            %get3A_213 = arith.constant 32 : index
            %get3A_214 = tpu.vector_load %get3A_211[%get3A_212, %get3A_213] {strides = array<i32>} : memref<80x256xbf16, #tpu.memory_space<vmem>>, vector<32xbf16>,
            %get3A_215 = arith.constant 0 : i32
            %get3A_216 = arith.constant 0 : i32
            %get3A_217 = tpu.memref_slice %arg9[%scan3A_151, %get3A_215, %get3A_216] : memref<2x80x256xbf16, #tpu.memory_space<vmem>> -> memref<1x80x256xbf16, #tpu.memory_space<vmem>>
            %get3A_218 = tpu.memref_squeeze %get3A_217 : memref<1x80x256xbf16, #tpu.memory_space<vmem>> -> memref<80x256xbf16, #tpu.memory_space<vmem>>
            %get3A_219 = arith.index_cast %add3A_182 : i32 to index
            %get3A_220 = arith.constant 32 : index
            %get3A_221 = tpu.vector_load %get3A_218[%get3A_219, %get3A_220] {strides = array<i32>} : memref<80x256xbf16, #tpu.memory_space<vmem>>, vector<32xbf16>,
            %mul3A_222 = arith.mulf %get3A_214, %get3A_221 : vector<32xbf16>
            %unpack3A_223 = tpu.unpack_subelements %mul3A_222, 0 {pack_format = #tpu.pack_format<interleaved>} : vector<32xbf16> -> vector<16xf32>
            %unpack3A_224 = tpu.unpack_subelements %mul3A_222, 1 {pack_format = #tpu.pack_format<interleaved>} : vector<32xbf16> -> vector<16xf32>
            %add3A_225 = arith.addf %broadcast_in_dim3A_188, %unpack3A_223 : vector<16xf32>
            %add3A_226 = arith.addf %broadcast_in_dim3A_190, %unpack3A_224 : vector<16xf32>
            %get3A_227 = arith.constant 0 : i32
            %get3A_228 = arith.constant 0 : i32
            %get3A_229 = tpu.memref_slice %arg8[%scan3A_150, %get3A_227, %get3A_228] : memref<2x80x256xbf16, #tpu.memory_space<vmem>> -> memref<1x80x256xbf16, #tpu.memory_space<vmem>>
            %get3A_230 = tpu.memref_squeeze %get3A_229 : memref<1x80x256xbf16, #tpu.memory_space<vmem>> -> memref<80x256xbf16, #tpu.memory_space<vmem>>
            %get3A_231 = arith.index_cast %add3A_182 : i32 to index
            %get3A_232 = arith.constant 64 : index
            %get3A_233 = tpu.vector_load %get3A_230[%get3A_231, %get3A_232] {strides = array<i32>} : memref<80x256xbf16, #tpu.memory_space<vmem>>, vector<32xbf16>,
            %get3A_234 = arith.constant 0 : i32
            %get3A_235 = arith.constant 0 : i32
            %get3A_236 = tpu.memref_slice %arg9[%scan3A_151, %get3A_234, %get3A_235] : memref<2x80x256xbf16, #tpu.memory_space<vmem>> -> memref<1x80x256xbf16, #tpu.memory_space<vmem>>
            %get3A_237 = tpu.memref_squeeze %get3A_236 : memref<1x80x256xbf16, #tpu.memory_space<vmem>> -> memref<80x256xbf16, #tpu.memory_space<vmem>>
            %get3A_238 = arith.index_cast %add3A_182 : i32 to index
            %get3A_239 = arith.constant 64 : index
            %get3A_240 = tpu.vector_load %get3A_237[%get3A_238, %get3A_239] {strides = array<i32>} : memref<80x256xbf16, #tpu.memory_space<vmem>>, vector<32xbf16>,
            %mul3A_241 = arith.mulf %get3A_233, %get3A_240 : vector<32xbf16>
            %unpack3A_242 = tpu.unpack_subelements %mul3A_241, 0 {pack_format = #tpu.pack_format<interleaved>} : vector<32xbf16> -> vector<16xf32>
            %unpack3A_243 = tpu.unpack_subelements %mul3A_241, 1 {pack_format = #tpu.pack_format<interleaved>} : vector<32xbf16> -> vector<16xf32>
            %add3A_244 = arith.addf %add3A_206, %unpack3A_242 : vector<16xf32>
            %add3A_245 = arith.addf %add3A_207, %unpack3A_243 : vector<16xf32>
            %get3A_246 = arith.constant 0 : i32
            %get3A_247 = arith.constant 0 : i32
            %get3A_248 = tpu.memref_slice %arg8[%scan3A_150, %get3A_246, %get3A_247] : memref<2x80x256xbf16, #tpu.memory_space<vmem>> -> memref<1x80x256xbf16, #tpu.memory_space<vmem>>
            %get3A_249 = tpu.memref_squeeze %get3A_248 : memref<1x80x256xbf16, #tpu.memory_space<vmem>> -> memref<80x256xbf16, #tpu.memory_space<vmem>>
            %get3A_250 = arith.index_cast %add3A_182 : i32 to index
            %get3A_251 = arith.constant 96 : index
            %get3A_252 = tpu.vector_load %get3A_249[%get3A_250, %get3A_251] {strides = array<i32>} : memref<80x256xbf16, #tpu.memory_space<vmem>>, vector<32xbf16>,
            %get3A_253 = arith.constant 0 : i32
            %get3A_254 = arith.constant 0 : i32
            %get3A_255 = tpu.memref_slice %arg9[%scan3A_151, %get3A_253, %get3A_254] : memref<2x80x256xbf16, #tpu.memory_space<vmem>> -> memref<1x80x256xbf16, #tpu.memory_space<vmem>>
            %get3A_256 = tpu.memref_squeeze %get3A_255 : memref<1x80x256xbf16, #tpu.memory_space<vmem>> -> memref<80x256xbf16, #tpu.memory_space<vmem>>
            %get3A_257 = arith.index_cast %add3A_182 : i32 to index
            %get3A_258 = arith.constant 96 : index
            %get3A_259 = tpu.vector_load %get3A_256[%get3A_257, %get3A_258] {strides = array<i32>} : memref<80x256xbf16, #tpu.memory_space<vmem>>, vector<32xbf16>,
            %mul3A_260 = arith.mulf %get3A_252, %get3A_259 : vector<32xbf16>
            %unpack3A_261 = tpu.unpack_subelements %mul3A_260, 0 {pack_format = #tpu.pack_format<interleaved>} : vector<32xbf16> -> vector<16xf32>
            %unpack3A_262 = tpu.unpack_subelements %mul3A_260, 1 {pack_format = #tpu.pack_format<interleaved>} : vector<32xbf16> -> vector<16xf32>
            %add3A_263 = arith.addf %add3A_225, %unpack3A_261 : vector<16xf32>
            %add3A_264 = arith.addf %add3A_226, %unpack3A_262 : vector<16xf32>
            %get3A_265 = arith.constant 0 : i32
            %get3A_266 = arith.constant 0 : i32
            %get3A_267 = tpu.memref_slice %arg8[%scan3A_150, %get3A_265, %get3A_266] : memref<2x80x256xbf16, #tpu.memory_space<vmem>> -> memref<1x80x256xbf16, #tpu.memory_space<vmem>>
            %get3A_268 = tpu.memref_squeeze %get3A_267 : memref<1x80x256xbf16, #tpu.memory_space<vmem>> -> memref<80x256xbf16, #tpu.memory_space<vmem>>
            %get3A_269 = arith.index_cast %add3A_182 : i32 to index
            %get3A_270 = arith.constant 128 : index
            %get3A_271 = tpu.vector_load %get3A_268[%get3A_269, %get3A_270] {strides = array<i32>} : memref<80x256xbf16, #tpu.memory_space<vmem>>, vector<32xbf16>,
            %get3A_272 = arith.constant 0 : i32
            %get3A_273 = arith.constant 0 : i32
            %get3A_274 = tpu.memref_slice %arg9[%scan3A_151, %get3A_272, %get3A_273] : memref<2x80x256xbf16, #tpu.memory_space<vmem>> -> memref<1x80x256xbf16, #tpu.memory_space<vmem>>
            %get3A_275 = tpu.memref_squeeze %get3A_274 : memref<1x80x256xbf16, #tpu.memory_space<vmem>> -> memref<80x256xbf16, #tpu.memory_space<vmem>>
            %get3A_276 = arith.index_cast %add3A_182 : i32 to index
            %get3A_277 = arith.constant 128 : index
            %get3A_278 = tpu.vector_load %get3A_275[%get3A_276, %get3A_277] {strides = array<i32>} : memref<80x256xbf16, #tpu.memory_space<vmem>>, vector<32xbf16>,
            %mul3A_279 = arith.mulf %get3A_271, %get3A_278 : vector<32xbf16>
            %unpack3A_280 = tpu.unpack_subelements %mul3A_279, 0 {pack_format = #tpu.pack_format<interleaved>} : vector<32xbf16> -> vector<16xf32>
            %unpack3A_281 = tpu.unpack_subelements %mul3A_279, 1 {pack_format = #tpu.pack_format<interleaved>} : vector<32xbf16> -> vector<16xf32>
            %add3A_282 = arith.addf %add3A_244, %unpack3A_280 : vector<16xf32>
            %add3A_283 = arith.addf %add3A_245, %unpack3A_281 : vector<16xf32>
            %get3A_284 = arith.constant 0 : i32
            %get3A_285 = arith.constant 0 : i32
            %get3A_286 = tpu.memref_slice %arg8[%scan3A_150, %get3A_284, %get3A_285] : memref<2x80x256xbf16, #tpu.memory_space<vmem>> -> memref<1x80x256xbf16, #tpu.memory_space<vmem>>
            %get3A_287 = tpu.memref_squeeze %get3A_286 : memref<1x80x256xbf16, #tpu.memory_space<vmem>> -> memref<80x256xbf16, #tpu.memory_space<vmem>>
            %get3A_288 = arith.index_cast %add3A_182 : i32 to index
            %get3A_289 = arith.constant 160 : index
            %get3A_290 = tpu.vector_load %get3A_287[%get3A_288, %get3A_289] {strides = array<i32>} : memref<80x256xbf16, #tpu.memory_space<vmem>>, vector<32xbf16>,
            %get3A_291 = arith.constant 0 : i32
            %get3A_292 = arith.constant 0 : i32
            %get3A_293 = tpu.memref_slice %arg9[%scan3A_151, %get3A_291, %get3A_292] : memref<2x80x256xbf16, #tpu.memory_space<vmem>> -> memref<1x80x256xbf16, #tpu.memory_space<vmem>>
            %get3A_294 = tpu.memref_squeeze %get3A_293 : memref<1x80x256xbf16, #tpu.memory_space<vmem>> -> memref<80x256xbf16, #tpu.memory_space<vmem>>
            %get3A_295 = arith.index_cast %add3A_182 : i32 to index
            %get3A_296 = arith.constant 160 : index
            %get3A_297 = tpu.vector_load %get3A_294[%get3A_295, %get3A_296] {strides = array<i32>} : memref<80x256xbf16, #tpu.memory_space<vmem>>, vector<32xbf16>,
            %mul3A_298 = arith.mulf %get3A_290, %get3A_297 : vector<32xbf16>
            %unpack3A_299 = tpu.unpack_subelements %mul3A_298, 0 {pack_format = #tpu.pack_format<interleaved>} : vector<32xbf16> -> vector<16xf32>
            %unpack3A_300 = tpu.unpack_subelements %mul3A_298, 1 {pack_format = #tpu.pack_format<interleaved>} : vector<32xbf16> -> vector<16xf32>
            %add3A_301 = arith.addf %add3A_263, %unpack3A_299 : vector<16xf32>
            %add3A_302 = arith.addf %add3A_264, %unpack3A_300 : vector<16xf32>
            %get3A_303 = arith.constant 0 : i32
            %get3A_304 = arith.constant 0 : i32
            %get3A_305 = tpu.memref_slice %arg8[%scan3A_150, %get3A_303, %get3A_304] : memref<2x80x256xbf16, #tpu.memory_space<vmem>> -> memref<1x80x256xbf16, #tpu.memory_space<vmem>>
            %get3A_306 = tpu.memref_squeeze %get3A_305 : memref<1x80x256xbf16, #tpu.memory_space<vmem>> -> memref<80x256xbf16, #tpu.memory_space<vmem>>
            %get3A_307 = arith.index_cast %add3A_182 : i32 to index
            %get3A_308 = arith.constant 192 : index
            %get3A_309 = tpu.vector_load %get3A_306[%get3A_307, %get3A_308] {strides = array<i32>} : memref<80x256xbf16, #tpu.memory_space<vmem>>, vector<32xbf16>,
            %get3A_310 = arith.constant 0 : i32
            %get3A_311 = arith.constant 0 : i32
            %get3A_312 = tpu.memref_slice %arg9[%scan3A_151, %get3A_310, %get3A_311] : memref<2x80x256xbf16, #tpu.memory_space<vmem>> -> memref<1x80x256xbf16, #tpu.memory_space<vmem>>
            %get3A_313 = tpu.memref_squeeze %get3A_312 : memref<1x80x256xbf16, #tpu.memory_space<vmem>> -> memref<80x256xbf16, #tpu.memory_space<vmem>>
            %get3A_314 = arith.index_cast %add3A_182 : i32 to index
            %get3A_315 = arith.constant 192 : index
            %get3A_316 = tpu.vector_load %get3A_313[%get3A_314, %get3A_315] {strides = array<i32>} : memref<80x256xbf16, #tpu.memory_space<vmem>>, vector<32xbf16>,
            %mul3A_317 = arith.mulf %get3A_309, %get3A_316 : vector<32xbf16>
            %unpack3A_318 = tpu.unpack_subelements %mul3A_317, 0 {pack_format = #tpu.pack_format<interleaved>} : vector<32xbf16> -> vector<16xf32>
            %unpack3A_319 = tpu.unpack_subelements %mul3A_317, 1 {pack_format = #tpu.pack_format<interleaved>} : vector<32xbf16> -> vector<16xf32>
            %add3A_320 = arith.addf %add3A_282, %unpack3A_318 : vector<16xf32>
            %add3A_321 = arith.addf %add3A_283, %unpack3A_319 : vector<16xf32>
            %get3A_322 = arith.constant 0 : i32
            %get3A_323 = arith.constant 0 : i32
            %get3A_324 = tpu.memref_slice %arg8[%scan3A_150, %get3A_322, %get3A_323] : memref<2x80x256xbf16, #tpu.memory_space<vmem>> -> memref<1x80x256xbf16, #tpu.memory_space<vmem>>
            %get3A_325 = tpu.memref_squeeze %get3A_324 : memref<1x80x256xbf16, #tpu.memory_space<vmem>> -> memref<80x256xbf16, #tpu.memory_space<vmem>>
            %get3A_326 = arith.index_cast %add3A_182 : i32 to index
            %get3A_327 = arith.constant 224 : index
            %get3A_328 = tpu.vector_load %get3A_325[%get3A_326, %get3A_327] {strides = array<i32>} : memref<80x256xbf16, #tpu.memory_space<vmem>>, vector<32xbf16>,
            %get3A_329 = arith.constant 0 : i32
            %get3A_330 = arith.constant 0 : i32
            %get3A_331 = tpu.memref_slice %arg9[%scan3A_151, %get3A_329, %get3A_330] : memref<2x80x256xbf16, #tpu.memory_space<vmem>> -> memref<1x80x256xbf16, #tpu.memory_space<vmem>>
            %get3A_332 = tpu.memref_squeeze %get3A_331 : memref<1x80x256xbf16, #tpu.memory_space<vmem>> -> memref<80x256xbf16, #tpu.memory_space<vmem>>
            %get3A_333 = arith.index_cast %add3A_182 : i32 to index
            %get3A_334 = arith.constant 224 : index
            %get3A_335 = tpu.vector_load %get3A_332[%get3A_333, %get3A_334] {strides = array<i32>} : memref<80x256xbf16, #tpu.memory_space<vmem>>, vector<32xbf16>,
            %mul3A_336 = arith.mulf %get3A_328, %get3A_335 : vector<32xbf16>
            %unpack3A_337 = tpu.unpack_subelements %mul3A_336, 0 {pack_format = #tpu.pack_format<interleaved>} : vector<32xbf16> -> vector<16xf32>
            %unpack3A_338 = tpu.unpack_subelements %mul3A_336, 1 {pack_format = #tpu.pack_format<interleaved>} : vector<32xbf16> -> vector<16xf32>
            %add3A_339 = arith.addf %add3A_301, %unpack3A_337 : vector<16xf32>
            %add3A_340 = arith.addf %add3A_302, %unpack3A_338 : vector<16xf32>
            %add3A_341 = arith.addf %add3A_320, %add3A_321 : vector<16xf32>
            %add3A_342 = arith.addf %add3A_339, %add3A_340 : vector<16xf32>
            %add3A_343 = arith.addf %add3A_341, %add3A_342 : vector<16xf32>
            %eq3A = vector.broadcast %scan3A_178 : i32 to vector<16xi32>
            %eq3A_344 = arith.cmpi eq, %iota3A, %eq3A : vector<16xi32>
            %reduce_sum3A = arith.constant true
            %reduce_sum3A_345 = vector.broadcast %reduce_sum3A : i1 to vector<16xi1>
            %reduce_sum3A_346 = tpu.scan <sum>, %add3A_343 masked %reduce_sum3A_345 : vector<16xf32>, vector<16xi1> -> vector<16xf32>
            %reduce_sum3A_347 = vector.extract %reduce_sum3A_346[15] : f32 from vector<16xf32>
            %broadcast_in_dim3A_348 = vector.broadcast %reduce_sum3A_347 : f32 to vector<16xf32>
            %select_n3A = arith.select %eq3A_344, %broadcast_in_dim3A_348, %scan3A_179 : vector<16xi1>, vector<16xf32>
            scf.yield %select_n3A : vector<16xf32>
          }
          %scan3A_171 = arith.constant 16 : i32
          %mul3A_172 = arith.constant 80 : i32
          %mul3A_173 = arith.muli %add3A_128, %mul3A_172 : i32
          %mul3A_174 = arith.constant 16 : i32
          %mul3A_175 = arith.muli %scan3A_164, %mul3A_174 : i32
          %add3A_176 = arith.addi %mul3A_173, %mul3A_175 : i32
          %swap3A = arith.index_cast %add3A_176 : i32 to index
          %swap3A_177 = tpu.vector_load %arg10[%swap3A] {strides = array<i32>} : memref<2000xf32, #tpu.memory_space<vmem>>, vector<16xf32>,
          tpu.vector_store %arg10[%swap3A], %scan3A_170 {strides = array<i32>} : memref<2000xf32, #tpu.memory_space<vmem>>, vector<16xf32>,
        }
        %scan3A_156 = arith.constant 5 : i32
        %add3A_157 = arith.constant 2 : i32
        %add3A_158 = arith.addi %add3A_128, %add3A_157 : i32
        %lt3A_159 = arith.constant 25 : i32
        %lt3A_160 = arith.cmpi slt, %add3A_158, %lt3A_159 : i32
        %convert_element_type3A_161 = arith.extui %lt3A_160 : i1 to i32
        %cond3A_162 = arith.constant 0 : i32
        %cond3A_163 = arith.cmpi ne, %convert_element_type3A_161, %cond3A_162 : i32
        scf.if %cond3A_163 {
          %add3A_164 = arith.constant 2 : i32
          %add3A_165 = arith.addi %add3A_128, %add3A_164 : i32
          %mul3A_166 = arith.constant 80 : i32
          %mul3A_167 = arith.muli %add3A_165, %mul3A_166 : i32
          %dma_start3A_168 = arith.constant 1 : i32
          %dma_start3A_169 = arith.constant 0 : i32
          %dma_start3A_170 = arith.constant 0 : i32
          %dma_start3A_171 = tpu.memref_slice %arg8[%dma_start3A_168, %dma_start3A_169, %dma_start3A_170] : memref<2x80x256xbf16, #tpu.memory_space<vmem>> -> memref<1x80x256xbf16, #tpu.memory_space<vmem>>
          %dma_start3A_172 = tpu.memref_squeeze %dma_start3A_171 : memref<1x80x256xbf16, #tpu.memory_space<vmem>> -> memref<80x256xbf16, #tpu.memory_space<vmem>>
          %dma_start3A_173 = tpu.memref_slice %arg6[%mul3A_167] : memref<2000xi32, #tpu.memory_space<vmem>> -> memref<80xi32, #tpu.memory_space<vmem>>
          %dma_start3A_174 = arith.constant 0 : i32
          %dma_start3A_175 = arith.constant 0 : i32
          %dma_start3A_176 = tpu.memref_slice %arg11[%dma_start3A_174, %dma_start3A_175] : memref<10000x256xbf16, #tpu.memory_space<vmem_shared>> -> memref<10000x256xbf16, #tpu.memory_space<vmem_shared>>
          tpu.enqueue_indirect_dma source(%dma_start3A_176 : memref<10000x256xbf16, #tpu.memory_space<vmem_shared>>) target(%dma_start3A_172 : memref<80x256xbf16, #tpu.memory_space<vmem>>) offsets(%dma_start3A_173 : memref<80xi32, #tpu.memory_space<vmem>>) semaphore(%arg14 : memref<!tpu.dma_semaphore, #tpu.memory_space<semaphore_mem>>)
          %dma_start3A_177 = arith.constant 1 : i32
          %dma_start3A_178 = arith.constant 0 : i32
          %dma_start3A_179 = arith.constant 0 : i32
          %dma_start3A_180 = tpu.memref_slice %arg9[%dma_start3A_177, %dma_start3A_178, %dma_start3A_179] : memref<2x80x256xbf16, #tpu.memory_space<vmem>> -> memref<1x80x256xbf16, #tpu.memory_space<vmem>>
          %dma_start3A_181 = tpu.memref_squeeze %dma_start3A_180 : memref<1x80x256xbf16, #tpu.memory_space<vmem>> -> memref<80x256xbf16, #tpu.memory_space<vmem>>
          %dma_start3A_182 = tpu.memref_slice %arg7[%mul3A_167] : memref<2000xi32, #tpu.memory_space<vmem>> -> memref<80xi32, #tpu.memory_space<vmem>>
          %dma_start3A_183 = arith.constant 0 : i32
          %dma_start3A_184 = arith.constant 0 : i32
          %dma_start3A_185 = tpu.memref_slice %arg11[%dma_start3A_183, %dma_start3A_184] : memref<10000x256xbf16, #tpu.memory_space<vmem_shared>> -> memref<10000x256xbf16, #tpu.memory_space<vmem_shared>>
          tpu.enqueue_indirect_dma source(%dma_start3A_185 : memref<10000x256xbf16, #tpu.memory_space<vmem_shared>>) target(%dma_start3A_181 : memref<80x256xbf16, #tpu.memory_space<vmem>>) offsets(%dma_start3A_182 : memref<80xi32, #tpu.memory_space<vmem>>) semaphore(%arg15 : memref<!tpu.dma_semaphore, #tpu.memory_space<semaphore_mem>>)
        } else {
        }
      }
      %scan3A_60 = arith.constant 12 : i32
      %dma_wait3A = arith.constant 0 : i32
      %dma_wait3A_61 = arith.constant 0 : i32
      %dma_wait3A_62 = arith.constant 0 : i32
      %dma_wait3A_63 = tpu.memref_slice %arg8[%dma_wait3A, %dma_wait3A_61, %dma_wait3A_62] : memref<2x80x256xbf16, #tpu.memory_space<vmem>> -> memref<1x80x256xbf16, #tpu.memory_space<vmem>>
      %dma_wait3A_64 = tpu.memref_squeeze %dma_wait3A_63 : memref<1x80x256xbf16, #tpu.memory_space<vmem>> -> memref<80x256xbf16, #tpu.memory_space<vmem>>
      %dma_wait3A_65 = arith.constant 1920 : i32
      %dma_wait3A_66 = tpu.memref_slice %arg6[%dma_wait3A_65] : memref<2000xi32, #tpu.memory_space<vmem>> -> memref<80xi32, #tpu.memory_space<vmem>>
      %dma_wait3A_67 = arith.constant 0 : i32
      %dma_wait3A_68 = arith.constant 0 : i32
      %dma_wait3A_69 = tpu.memref_slice %arg11[%dma_wait3A_67, %dma_wait3A_68] : memref<10000x256xbf16, #tpu.memory_space<vmem_shared>> -> memref<10000x256xbf16, #tpu.memory_space<vmem_shared>>
      tpu.wait_indirect_dma semaphore(%arg12 : memref<!tpu.dma_semaphore, #tpu.memory_space<semaphore_mem>>) src(%dma_wait3A_69 : memref<10000x256xbf16, #tpu.memory_space<vmem_shared>>) dst(%dma_wait3A_64 : memref<80x256xbf16, #tpu.memory_space<vmem>>)
      %dma_wait3A_70 = arith.constant 0 : i32
      %dma_wait3A_71 = arith.constant 0 : i32
      %dma_wait3A_72 = arith.constant 0 : i32
      %dma_wait3A_73 = tpu.memref_slice %arg9[%dma_wait3A_70, %dma_wait3A_71, %dma_wait3A_72] : memref<2x80x256xbf16, #tpu.memory_space<vmem>> -> memref<1x80x256xbf16, #tpu.memory_space<vmem>>
      %dma_wait3A_74 = tpu.memref_squeeze %dma_wait3A_73 : memref<1x80x256xbf16, #tpu.memory_space<vmem>> -> memref<80x256xbf16, #tpu.memory_space<vmem>>
      %dma_wait3A_75 = arith.constant 1920 : i32
      %dma_wait3A_76 = tpu.memref_slice %arg7[%dma_wait3A_75] : memref<2000xi32, #tpu.memory_space<vmem>> -> memref<80xi32, #tpu.memory_space<vmem>>
      %dma_wait3A_77 = arith.constant 0 : i32
      %dma_wait3A_78 = arith.constant 0 : i32
      %dma_wait3A_79 = tpu.memref_slice %arg11[%dma_wait3A_77, %dma_wait3A_78] : memref<10000x256xbf16, #tpu.memory_space<vmem_shared>> -> memref<10000x256xbf16, #tpu.memory_space<vmem_shared>>
      tpu.wait_indirect_dma semaphore(%arg13 : memref<!tpu.dma_semaphore, #tpu.memory_space<semaphore_mem>>) src(%dma_wait3A_79 : memref<10000x256xbf16, #tpu.memory_space<vmem_shared>>) dst(%dma_wait3A_74 : memref<80x256xbf16, #tpu.memory_space<vmem>>)
      %scan3A_80 = arith.constant 0 : i32
      %scan3A_81 = arith.constant 0 : i32
      %scan3A_82 = arith.constant 0 : i32
      %scan3A_83 = arith.constant 0 : i32
      %scan3A_84 = arith.constant 5 : i32
      %scan3A_85 = arith.addi %scan3A_83, %scan3A_84 : i32
      %scan3A_86 = arith.constant 1 : i32
      scf.for %scan3A_88 = %scan3A_83 to %scan3A_85 step %scan3A_86  : i32 {
        %broadcast_in_dim3A = arith.constant 0.000000e+00 : f32
        %broadcast_in_dim3A_89 = vector.broadcast %broadcast_in_dim3A : f32 to vector<16xf32>
        %scan3A_90 = arith.constant 0 : i32
        %scan3A_91 = arith.constant 16 : i32
        %scan3A_92 = arith.addi %scan3A_90, %scan3A_91 : i32
        %scan3A_93 = arith.constant 1 : i32
        %scan3A_94 = scf.for %scan3A_101 = %scan3A_90 to %scan3A_92 step %scan3A_93 iter_args(%scan3A_102 = %broadcast_in_dim3A_89) -> (vector<16xf32>)  : i32 {
          %mul3A_103 = arith.constant 16 : i32
          %mul3A_104 = arith.muli %scan3A_88, %mul3A_103 : i32
          %add3A_105 = arith.addi %mul3A_104, %scan3A_101 : i32
          %broadcast_in_dim3A_106 = arith.constant 0.000000e+00 : f32
          %broadcast_in_dim3A_107 = vector.broadcast %broadcast_in_dim3A_106 : f32 to vector<16xf32>
          %broadcast_in_dim3A_108 = arith.constant 0.000000e+00 : f32
          %broadcast_in_dim3A_109 = vector.broadcast %broadcast_in_dim3A_108 : f32 to vector<16xf32>
          %broadcast_in_dim3A_110 = arith.constant 0.000000e+00 : f32
          %broadcast_in_dim3A_111 = vector.broadcast %broadcast_in_dim3A_110 : f32 to vector<16xf32>
          %broadcast_in_dim3A_112 = arith.constant 0.000000e+00 : f32
          %broadcast_in_dim3A_113 = vector.broadcast %broadcast_in_dim3A_112 : f32 to vector<16xf32>
          %get3A = arith.constant 0 : i32
          %get3A_114 = arith.constant 0 : i32
          %get3A_115 = tpu.memref_slice %arg8[%scan3A_81, %get3A, %get3A_114] : memref<2x80x256xbf16, #tpu.memory_space<vmem>> -> memref<1x80x256xbf16, #tpu.memory_space<vmem>>
          %get3A_116 = tpu.memref_squeeze %get3A_115 : memref<1x80x256xbf16, #tpu.memory_space<vmem>> -> memref<80x256xbf16, #tpu.memory_space<vmem>>
          %get3A_117 = arith.index_cast %add3A_105 : i32 to index
          %get3A_118 = arith.constant 0 : index
          %get3A_119 = tpu.vector_load %get3A_116[%get3A_117, %get3A_118] {strides = array<i32>} : memref<80x256xbf16, #tpu.memory_space<vmem>>, vector<32xbf16>,
          %get3A_120 = arith.constant 0 : i32
          %get3A_121 = arith.constant 0 : i32
          %get3A_122 = tpu.memref_slice %arg9[%scan3A_82, %get3A_120, %get3A_121] : memref<2x80x256xbf16, #tpu.memory_space<vmem>> -> memref<1x80x256xbf16, #tpu.memory_space<vmem>>
          %get3A_123 = tpu.memref_squeeze %get3A_122 : memref<1x80x256xbf16, #tpu.memory_space<vmem>> -> memref<80x256xbf16, #tpu.memory_space<vmem>>
          %get3A_124 = arith.index_cast %add3A_105 : i32 to index
          %get3A_125 = arith.constant 0 : index
          %get3A_126 = tpu.vector_load %get3A_123[%get3A_124, %get3A_125] {strides = array<i32>} : memref<80x256xbf16, #tpu.memory_space<vmem>>, vector<32xbf16>,
          %mul3A_127 = arith.mulf %get3A_119, %get3A_126 : vector<32xbf16>
          %unpack3A = tpu.unpack_subelements %mul3A_127, 0 {pack_format = #tpu.pack_format<interleaved>} : vector<32xbf16> -> vector<16xf32>
          %unpack3A_128 = tpu.unpack_subelements %mul3A_127, 1 {pack_format = #tpu.pack_format<interleaved>} : vector<32xbf16> -> vector<16xf32>
          %add3A_129 = arith.addf %broadcast_in_dim3A_107, %unpack3A : vector<16xf32>
          %add3A_130 = arith.addf %broadcast_in_dim3A_109, %unpack3A_128 : vector<16xf32>
          %get3A_131 = arith.constant 0 : i32
          %get3A_132 = arith.constant 0 : i32
          %get3A_133 = tpu.memref_slice %arg8[%scan3A_81, %get3A_131, %get3A_132] : memref<2x80x256xbf16, #tpu.memory_space<vmem>> -> memref<1x80x256xbf16, #tpu.memory_space<vmem>>
          %get3A_134 = tpu.memref_squeeze %get3A_133 : memref<1x80x256xbf16, #tpu.memory_space<vmem>> -> memref<80x256xbf16, #tpu.memory_space<vmem>>
          %get3A_135 = arith.index_cast %add3A_105 : i32 to index
          %get3A_136 = arith.constant 32 : index
          %get3A_137 = tpu.vector_load %get3A_134[%get3A_135, %get3A_136] {strides = array<i32>} : memref<80x256xbf16, #tpu.memory_space<vmem>>, vector<32xbf16>,
          %get3A_138 = arith.constant 0 : i32
          %get3A_139 = arith.constant 0 : i32
          %get3A_140 = tpu.memref_slice %arg9[%scan3A_82, %get3A_138, %get3A_139] : memref<2x80x256xbf16, #tpu.memory_space<vmem>> -> memref<1x80x256xbf16, #tpu.memory_space<vmem>>
          %get3A_141 = tpu.memref_squeeze %get3A_140 : memref<1x80x256xbf16, #tpu.memory_space<vmem>> -> memref<80x256xbf16, #tpu.memory_space<vmem>>
          %get3A_142 = arith.index_cast %add3A_105 : i32 to index
          %get3A_143 = arith.constant 32 : index
          %get3A_144 = tpu.vector_load %get3A_141[%get3A_142, %get3A_143] {strides = array<i32>} : memref<80x256xbf16, #tpu.memory_space<vmem>>, vector<32xbf16>,
          %mul3A_145 = arith.mulf %get3A_137, %get3A_144 : vector<32xbf16>
          %unpack3A_146 = tpu.unpack_subelements %mul3A_145, 0 {pack_format = #tpu.pack_format<interleaved>} : vector<32xbf16> -> vector<16xf32>
          %unpack3A_147 = tpu.unpack_subelements %mul3A_145, 1 {pack_format = #tpu.pack_format<interleaved>} : vector<32xbf16> -> vector<16xf32>
          %add3A_148 = arith.addf %broadcast_in_dim3A_111, %unpack3A_146 : vector<16xf32>
          %add3A_149 = arith.addf %broadcast_in_dim3A_113, %unpack3A_147 : vector<16xf32>
          %get3A_150 = arith.constant 0 : i32
          %get3A_151 = arith.constant 0 : i32
          %get3A_152 = tpu.memref_slice %arg8[%scan3A_81, %get3A_150, %get3A_151] : memref<2x80x256xbf16, #tpu.memory_space<vmem>> -> memref<1x80x256xbf16, #tpu.memory_space<vmem>>
          %get3A_153 = tpu.memref_squeeze %get3A_152 : memref<1x80x256xbf16, #tpu.memory_space<vmem>> -> memref<80x256xbf16, #tpu.memory_space<vmem>>
          %get3A_154 = arith.index_cast %add3A_105 : i32 to index
          %get3A_155 = arith.constant 64 : index
          %get3A_156 = tpu.vector_load %get3A_153[%get3A_154, %get3A_155] {strides = array<i32>} : memref<80x256xbf16, #tpu.memory_space<vmem>>, vector<32xbf16>,
          %get3A_157 = arith.constant 0 : i32
          %get3A_158 = arith.constant 0 : i32
          %get3A_159 = tpu.memref_slice %arg9[%scan3A_82, %get3A_157, %get3A_158] : memref<2x80x256xbf16, #tpu.memory_space<vmem>> -> memref<1x80x256xbf16, #tpu.memory_space<vmem>>
          %get3A_160 = tpu.memref_squeeze %get3A_159 : memref<1x80x256xbf16, #tpu.memory_space<vmem>> -> memref<80x256xbf16, #tpu.memory_space<vmem>>
          %get3A_161 = arith.index_cast %add3A_105 : i32 to index
          %get3A_162 = arith.constant 64 : index
          %get3A_163 = tpu.vector_load %get3A_160[%get3A_161, %get3A_162] {strides = array<i32>} : memref<80x256xbf16, #tpu.memory_space<vmem>>, vector<32xbf16>,
          %mul3A_164 = arith.mulf %get3A_156, %get3A_163 : vector<32xbf16>
          %unpack3A_165 = tpu.unpack_subelements %mul3A_164, 0 {pack_format = #tpu.pack_format<interleaved>} : vector<32xbf16> -> vector<16xf32>
          %unpack3A_166 = tpu.unpack_subelements %mul3A_164, 1 {pack_format = #tpu.pack_format<interleaved>} : vector<32xbf16> -> vector<16xf32>
          %add3A_167 = arith.addf %add3A_129, %unpack3A_165 : vector<16xf32>
          %add3A_168 = arith.addf %add3A_130, %unpack3A_166 : vector<16xf32>
          %get3A_169 = arith.constant 0 : i32
          %get3A_170 = arith.constant 0 : i32
          %get3A_171 = tpu.memref_slice %arg8[%scan3A_81, %get3A_169, %get3A_170] : memref<2x80x256xbf16, #tpu.memory_space<vmem>> -> memref<1x80x256xbf16, #tpu.memory_space<vmem>>
          %get3A_172 = tpu.memref_squeeze %get3A_171 : memref<1x80x256xbf16, #tpu.memory_space<vmem>> -> memref<80x256xbf16, #tpu.memory_space<vmem>>
          %get3A_173 = arith.index_cast %add3A_105 : i32 to index
          %get3A_174 = arith.constant 96 : index
          %get3A_175 = tpu.vector_load %get3A_172[%get3A_173, %get3A_174] {strides = array<i32>} : memref<80x256xbf16, #tpu.memory_space<vmem>>, vector<32xbf16>,
          %get3A_176 = arith.constant 0 : i32
          %get3A_177 = arith.constant 0 : i32
          %get3A_178 = tpu.memref_slice %arg9[%scan3A_82, %get3A_176, %get3A_177] : memref<2x80x256xbf16, #tpu.memory_space<vmem>> -> memref<1x80x256xbf16, #tpu.memory_space<vmem>>
          %get3A_179 = tpu.memref_squeeze %get3A_178 : memref<1x80x256xbf16, #tpu.memory_space<vmem>> -> memref<80x256xbf16, #tpu.memory_space<vmem>>
          %get3A_180 = arith.index_cast %add3A_105 : i32 to index
          %get3A_181 = arith.constant 96 : index
          %get3A_182 = tpu.vector_load %get3A_179[%get3A_180, %get3A_181] {strides = array<i32>} : memref<80x256xbf16, #tpu.memory_space<vmem>>, vector<32xbf16>,
          %mul3A_183 = arith.mulf %get3A_175, %get3A_182 : vector<32xbf16>
          %unpack3A_184 = tpu.unpack_subelements %mul3A_183, 0 {pack_format = #tpu.pack_format<interleaved>} : vector<32xbf16> -> vector<16xf32>
          %unpack3A_185 = tpu.unpack_subelements %mul3A_183, 1 {pack_format = #tpu.pack_format<interleaved>} : vector<32xbf16> -> vector<16xf32>
          %add3A_186 = arith.addf %add3A_148, %unpack3A_184 : vector<16xf32>
          %add3A_187 = arith.addf %add3A_149, %unpack3A_185 : vector<16xf32>
          %get3A_188 = arith.constant 0 : i32
          %get3A_189 = arith.constant 0 : i32
          %get3A_190 = tpu.memref_slice %arg8[%scan3A_81, %get3A_188, %get3A_189] : memref<2x80x256xbf16, #tpu.memory_space<vmem>> -> memref<1x80x256xbf16, #tpu.memory_space<vmem>>
          %get3A_191 = tpu.memref_squeeze %get3A_190 : memref<1x80x256xbf16, #tpu.memory_space<vmem>> -> memref<80x256xbf16, #tpu.memory_space<vmem>>
          %get3A_192 = arith.index_cast %add3A_105 : i32 to index
          %get3A_193 = arith.constant 128 : index
          %get3A_194 = tpu.vector_load %get3A_191[%get3A_192, %get3A_193] {strides = array<i32>} : memref<80x256xbf16, #tpu.memory_space<vmem>>, vector<32xbf16>,
          %get3A_195 = arith.constant 0 : i32
          %get3A_196 = arith.constant 0 : i32
          %get3A_197 = tpu.memref_slice %arg9[%scan3A_82, %get3A_195, %get3A_196] : memref<2x80x256xbf16, #tpu.memory_space<vmem>> -> memref<1x80x256xbf16, #tpu.memory_space<vmem>>
          %get3A_198 = tpu.memref_squeeze %get3A_197 : memref<1x80x256xbf16, #tpu.memory_space<vmem>> -> memref<80x256xbf16, #tpu.memory_space<vmem>>
          %get3A_199 = arith.index_cast %add3A_105 : i32 to index
          %get3A_200 = arith.constant 128 : index
          %get3A_201 = tpu.vector_load %get3A_198[%get3A_199, %get3A_200] {strides = array<i32>} : memref<80x256xbf16, #tpu.memory_space<vmem>>, vector<32xbf16>,
          %mul3A_202 = arith.mulf %get3A_194, %get3A_201 : vector<32xbf16>
          %unpack3A_203 = tpu.unpack_subelements %mul3A_202, 0 {pack_format = #tpu.pack_format<interleaved>} : vector<32xbf16> -> vector<16xf32>
          %unpack3A_204 = tpu.unpack_subelements %mul3A_202, 1 {pack_format = #tpu.pack_format<interleaved>} : vector<32xbf16> -> vector<16xf32>
          %add3A_205 = arith.addf %add3A_167, %unpack3A_203 : vector<16xf32>
          %add3A_206 = arith.addf %add3A_168, %unpack3A_204 : vector<16xf32>
          %get3A_207 = arith.constant 0 : i32
          %get3A_208 = arith.constant 0 : i32
          %get3A_209 = tpu.memref_slice %arg8[%scan3A_81, %get3A_207, %get3A_208] : memref<2x80x256xbf16, #tpu.memory_space<vmem>> -> memref<1x80x256xbf16, #tpu.memory_space<vmem>>
          %get3A_210 = tpu.memref_squeeze %get3A_209 : memref<1x80x256xbf16, #tpu.memory_space<vmem>> -> memref<80x256xbf16, #tpu.memory_space<vmem>>
          %get3A_211 = arith.index_cast %add3A_105 : i32 to index
          %get3A_212 = arith.constant 160 : index
          %get3A_213 = tpu.vector_load %get3A_210[%get3A_211, %get3A_212] {strides = array<i32>} : memref<80x256xbf16, #tpu.memory_space<vmem>>, vector<32xbf16>,
          %get3A_214 = arith.constant 0 : i32
          %get3A_215 = arith.constant 0 : i32
          %get3A_216 = tpu.memref_slice %arg9[%scan3A_82, %get3A_214, %get3A_215] : memref<2x80x256xbf16, #tpu.memory_space<vmem>> -> memref<1x80x256xbf16, #tpu.memory_space<vmem>>
          %get3A_217 = tpu.memref_squeeze %get3A_216 : memref<1x80x256xbf16, #tpu.memory_space<vmem>> -> memref<80x256xbf16, #tpu.memory_space<vmem>>
          %get3A_218 = arith.index_cast %add3A_105 : i32 to index
          %get3A_219 = arith.constant 160 : index
          %get3A_220 = tpu.vector_load %get3A_217[%get3A_218, %get3A_219] {strides = array<i32>} : memref<80x256xbf16, #tpu.memory_space<vmem>>, vector<32xbf16>,
          %mul3A_221 = arith.mulf %get3A_213, %get3A_220 : vector<32xbf16>
          %unpack3A_222 = tpu.unpack_subelements %mul3A_221, 0 {pack_format = #tpu.pack_format<interleaved>} : vector<32xbf16> -> vector<16xf32>
          %unpack3A_223 = tpu.unpack_subelements %mul3A_221, 1 {pack_format = #tpu.pack_format<interleaved>} : vector<32xbf16> -> vector<16xf32>
          %add3A_224 = arith.addf %add3A_186, %unpack3A_222 : vector<16xf32>
          %add3A_225 = arith.addf %add3A_187, %unpack3A_223 : vector<16xf32>
          %get3A_226 = arith.constant 0 : i32
          %get3A_227 = arith.constant 0 : i32
          %get3A_228 = tpu.memref_slice %arg8[%scan3A_81, %get3A_226, %get3A_227] : memref<2x80x256xbf16, #tpu.memory_space<vmem>> -> memref<1x80x256xbf16, #tpu.memory_space<vmem>>
          %get3A_229 = tpu.memref_squeeze %get3A_228 : memref<1x80x256xbf16, #tpu.memory_space<vmem>> -> memref<80x256xbf16, #tpu.memory_space<vmem>>
          %get3A_230 = arith.index_cast %add3A_105 : i32 to index
          %get3A_231 = arith.constant 192 : index
          %get3A_232 = tpu.vector_load %get3A_229[%get3A_230, %get3A_231] {strides = array<i32>} : memref<80x256xbf16, #tpu.memory_space<vmem>>, vector<32xbf16>,
          %get3A_233 = arith.constant 0 : i32
          %get3A_234 = arith.constant 0 : i32
          %get3A_235 = tpu.memref_slice %arg9[%scan3A_82, %get3A_233, %get3A_234] : memref<2x80x256xbf16, #tpu.memory_space<vmem>> -> memref<1x80x256xbf16, #tpu.memory_space<vmem>>
          %get3A_236 = tpu.memref_squeeze %get3A_235 : memref<1x80x256xbf16, #tpu.memory_space<vmem>> -> memref<80x256xbf16, #tpu.memory_space<vmem>>
          %get3A_237 = arith.index_cast %add3A_105 : i32 to index
          %get3A_238 = arith.constant 192 : index
          %get3A_239 = tpu.vector_load %get3A_236[%get3A_237, %get3A_238] {strides = array<i32>} : memref<80x256xbf16, #tpu.memory_space<vmem>>, vector<32xbf16>,
          %mul3A_240 = arith.mulf %get3A_232, %get3A_239 : vector<32xbf16>
          %unpack3A_241 = tpu.unpack_subelements %mul3A_240, 0 {pack_format = #tpu.pack_format<interleaved>} : vector<32xbf16> -> vector<16xf32>
          %unpack3A_242 = tpu.unpack_subelements %mul3A_240, 1 {pack_format = #tpu.pack_format<interleaved>} : vector<32xbf16> -> vector<16xf32>
          %add3A_243 = arith.addf %add3A_205, %unpack3A_241 : vector<16xf32>
          %add3A_244 = arith.addf %add3A_206, %unpack3A_242 : vector<16xf32>
          %get3A_245 = arith.constant 0 : i32
          %get3A_246 = arith.constant 0 : i32
          %get3A_247 = tpu.memref_slice %arg8[%scan3A_81, %get3A_245, %get3A_246] : memref<2x80x256xbf16, #tpu.memory_space<vmem>> -> memref<1x80x256xbf16, #tpu.memory_space<vmem>>
          %get3A_248 = tpu.memref_squeeze %get3A_247 : memref<1x80x256xbf16, #tpu.memory_space<vmem>> -> memref<80x256xbf16, #tpu.memory_space<vmem>>
          %get3A_249 = arith.index_cast %add3A_105 : i32 to index
          %get3A_250 = arith.constant 224 : index
          %get3A_251 = tpu.vector_load %get3A_248[%get3A_249, %get3A_250] {strides = array<i32>} : memref<80x256xbf16, #tpu.memory_space<vmem>>, vector<32xbf16>,
          %get3A_252 = arith.constant 0 : i32
          %get3A_253 = arith.constant 0 : i32
          %get3A_254 = tpu.memref_slice %arg9[%scan3A_82, %get3A_252, %get3A_253] : memref<2x80x256xbf16, #tpu.memory_space<vmem>> -> memref<1x80x256xbf16, #tpu.memory_space<vmem>>
          %get3A_255 = tpu.memref_squeeze %get3A_254 : memref<1x80x256xbf16, #tpu.memory_space<vmem>> -> memref<80x256xbf16, #tpu.memory_space<vmem>>
          %get3A_256 = arith.index_cast %add3A_105 : i32 to index
          %get3A_257 = arith.constant 224 : index
          %get3A_258 = tpu.vector_load %get3A_255[%get3A_256, %get3A_257] {strides = array<i32>} : memref<80x256xbf16, #tpu.memory_space<vmem>>, vector<32xbf16>,
          %mul3A_259 = arith.mulf %get3A_251, %get3A_258 : vector<32xbf16>
          %unpack3A_260 = tpu.unpack_subelements %mul3A_259, 0 {pack_format = #tpu.pack_format<interleaved>} : vector<32xbf16> -> vector<16xf32>
          %unpack3A_261 = tpu.unpack_subelements %mul3A_259, 1 {pack_format = #tpu.pack_format<interleaved>} : vector<32xbf16> -> vector<16xf32>
          %add3A_262 = arith.addf %add3A_224, %unpack3A_260 : vector<16xf32>
          %add3A_263 = arith.addf %add3A_225, %unpack3A_261 : vector<16xf32>
          %add3A_264 = arith.addf %add3A_243, %add3A_244 : vector<16xf32>
          %add3A_265 = arith.addf %add3A_262, %add3A_263 : vector<16xf32>
          %add3A_266 = arith.addf %add3A_264, %add3A_265 : vector<16xf32>
          %eq3A = vector.broadcast %scan3A_101 : i32 to vector<16xi32>
          %eq3A_267 = arith.cmpi eq, %iota3A, %eq3A : vector<16xi32>
          %reduce_sum3A = arith.constant true
          %reduce_sum3A_268 = vector.broadcast %reduce_sum3A : i1 to vector<16xi1>
          %reduce_sum3A_269 = tpu.scan <sum>, %add3A_266 masked %reduce_sum3A_268 : vector<16xf32>, vector<16xi1> -> vector<16xf32>
          %reduce_sum3A_270 = vector.extract %reduce_sum3A_269[15] : f32 from vector<16xf32>
          %broadcast_in_dim3A_271 = vector.broadcast %reduce_sum3A_270 : f32 to vector<16xf32>
          %select_n3A = arith.select %eq3A_267, %broadcast_in_dim3A_271, %scan3A_102 : vector<16xi1>, vector<16xf32>
          scf.yield %select_n3A : vector<16xf32>
        }
        %scan3A_95 = arith.constant 16 : i32
        %mul3A_96 = arith.constant 16 : i32
        %mul3A_97 = arith.muli %scan3A_88, %mul3A_96 : i32
        %add3A_98 = arith.constant 1920 : i32
        %add3A_99 = arith.addi %add3A_98, %mul3A_97 : i32
        %swap3A = arith.index_cast %add3A_99 : i32 to index
        %swap3A_100 = tpu.vector_load %arg10[%swap3A] {strides = array<i32>} : memref<2000xf32, #tpu.memory_space<vmem>>, vector<16xf32>,
        tpu.vector_store %arg10[%swap3A], %scan3A_94 {strides = array<i32>} : memref<2000xf32, #tpu.memory_space<vmem>>, vector<16xf32>,
      }
      %scan3A_87 = arith.constant 5 : i32
      "tpu.region"() ({
        %run_scoped3A = tpu.sem_alloc : memref<!tpu.dma_semaphore, #tpu.memory_space<semaphore_mem>>
        %dma_start3A_88 = tpu.memref_slice %arg5[%add3A_15] : memref<320000xf32, #tpu.memory_space<hbm>> -> memref<2000xf32, #tpu.memory_space<hbm>>
        %dma_start3A_89 = tpu.memref_slice %arg5[%add3A_15] : memref<320000xf32, #tpu.memory_space<hbm>> -> memref<2000xf32, #tpu.memory_space<hbm>>
        tpu.enqueue_dma source(%arg10 : memref<2000xf32, #tpu.memory_space<vmem>>) target(%dma_start3A_89 : memref<2000xf32, #tpu.memory_space<hbm>>) target_semaphore(%run_scoped3A : memref<!tpu.dma_semaphore, #tpu.memory_space<semaphore_mem>>)
        %dma_wait3A_90 = tpu.memref_slice %arg5[%add3A_15] : memref<320000xf32, #tpu.memory_space<hbm>> -> memref<2000xf32, #tpu.memory_space<hbm>>
        %dma_wait3A_91 = tpu.memref_slice %arg5[%add3A_15] : memref<320000xf32, #tpu.memory_space<hbm>> -> memref<2000xf32, #tpu.memory_space<hbm>>
        tpu.wait_dma2 semaphore(%run_scoped3A : memref<!tpu.dma_semaphore, #tpu.memory_space<semaphore_mem>>) src(%arg10 : memref<2000xf32, #tpu.memory_space<vmem>>) dst(%dma_wait3A_91 : memref<2000xf32, #tpu.memory_space<hbm>>)
        tpu.yield
      }) : () -> ()
    }
    %scan3A_11 = arith.constant 5 : i32
    return
  }
}

module attributes {stable_mosaic.version = 14 : i64} {
  func.func @_loss_body(%arg0: memref<2500x128xf32, #tpu.memory_space<vmem>>, %arg1: memref<1x1xf32, #tpu.memory_space<vmem>>) attributes {dimension_semantics = [], scalar_prefetch = 0 : i64, scratch_operands = 0 : i64, tpu.core_type = #tpu.core_type<tc>} {
    %get3A = arith.constant 0 : index
    %get3A_0 = arith.constant 0 : index
    %get3A_1 = vector.load %arg0[%get3A, %get3A_0] : memref<2500x128xf32, #tpu.memory_space<vmem>>, vector<2500x128xf32>
    %iota3A = tpu.iota {dimensions = array<i32: 0>} : vector<2500x128xi32>
    %lt3A = arith.constant 1250 : i32
    %lt3A_2 = vector.broadcast %lt3A : i32 to vector<2500x128xi32>
    %lt3A_3 = arith.cmpi slt, %iota3A, %lt3A_2 : vector<2500x128xi32>
    %convert_element_type3A = arith.extui %lt3A_3 : vector<2500x128xi1> to vector<2500x128xi32>
    %convert_element_type3A_4 = arith.sitofp %convert_element_type3A : vector<2500x128xi32> to vector<2500x128xf32>
    %max3A = arith.constant 0.000000e+00 : f32
    %max3A_5 = vector.broadcast %max3A : f32 to vector<2500x128xf32>
    %max3A_6 = arith.maximumf %get3A_1, %max3A_5 : vector<2500x128xf32>
    %mul3A = arith.mulf %get3A_1, %convert_element_type3A_4 : vector<2500x128xf32>
    %sub3A = arith.subf %max3A_6, %mul3A : vector<2500x128xf32>
    %abs3A = math.absf %get3A_1 : vector<2500x128xf32>
    %neg3A = arith.constant 0.000000e+00 : f32
    %neg3A_7 = vector.broadcast %neg3A : f32 to vector<2500x128xf32>
    %neg3A_8 = arith.subf %neg3A_7, %abs3A : vector<2500x128xf32>
    %exp3A = math.exp %neg3A_8 : vector<2500x128xf32>
    %log1p3A = math.log1p %exp3A : vector<2500x128xf32>
    %add3A = arith.addf %sub3A, %log1p3A : vector<2500x128xf32>
    %reduce_sum3A = vector.shape_cast %add3A : vector<2500x128xf32> to vector<1x2500x128xf32>
    %reduce_sum3A_9 = arith.constant dense<0.000000e+00> : vector<1xf32>
    %reduce_sum3A_10 = vector.multi_reduction <add>, %reduce_sum3A, %reduce_sum3A_9 [1, 2] : vector<1x2500x128xf32> to vector<1xf32>
    %reduce_sum3A_11 = vector.shape_cast %reduce_sum3A_10 : vector<1xf32> to vector<1x1x1xf32>
    %reduce_sum3A_12 = vector.extract %reduce_sum3A_11[0, 0, 0] : f32 from vector<1x1x1xf32>
    %reshape3A = vector.broadcast %reduce_sum3A_12 : f32 to vector<1x1xf32>
    %mul3A_13 = arith.constant 3.125000e-06 : f32
    %mul3A_14 = vector.broadcast %mul3A_13 : f32 to vector<1x1xf32>
    %mul3A_15 = arith.mulf %reshape3A, %mul3A_14 : vector<1x1xf32>
    %swap3A = arith.constant 0 : index
    %swap3A_16 = arith.constant 0 : index
    %swap3A_17 = vector.load %arg1[%swap3A, %swap3A_16] : memref<1x1xf32, #tpu.memory_space<vmem>>, vector<1x1xf32>
    tpu.vector_store %arg1[%swap3A, %swap3A_16], %mul3A_15 {strides = array<i32>} : memref<1x1xf32, #tpu.memory_space<vmem>>, vector<1x1xf32>,
    return
  }
}

</mosaic_0001>

<sc_bundles>
// kernel: kernel.4.cloned.1.call-start
scs
__scs_entry_jumppad:
0x0: {  	(pc) =	sbr.rel $0x88, $3  }
0x1: {  	(tag) =	ssettag $0x0;
	lr =	simm.s32 $0x1  }
0x2: {  	[smem:$0x3F9E] =	sst lr;
	_ =	strace $0xD0000000  }
0x3: {  	_ = 	snop  }
0x4: {  	_ = 	snop  }
0x5: {  	_ = 	snop  }
0x6: {  	_ = 	snop  }
0x7: {  	_ = 	snop  }
__scs_overlays_trampoline_lowered:
0x8: {  	[smem:$0x3FAD] =	sst s0  }
0x9: {  	[smem:$0x3FAE] =	sst s1  }
0xa: {  	[smem:$0x3FAF] =	sst s2  }
0xb: {  	[smem:$0x3FB0] =	sst s3  }
0xc: {  	[smem:$0x3FB1] =	sst s4  }
0xd: {  	[smem:$0x3FB2] =	sst s5  }
0xe: {  	[smem:$0x3FB3] =	sst s6  }
0xf: {  	[smem:$0x3FB4] =	sst s7  }
0x10: {  	[smem:$0x3FB5] =	sst s8  }
0x11: {  	[smem:$0x3FB6] =	sst s9;
	s0 =	simm.s32 @!p0 $0x0  }
0x12: {  	s1 =	sld [smem:$0x3F9C];
	s0 =	simm.s32 @p0 $0x1  }
0x13: {  	[smem:$0x3FB7] =	sst s0;
	s0 =	simm.s32 @!p1 $0x0  }
0x14: {  	s2 =	sld [smem:$0x3F9B];
	s0 =	simm.s32 @p1 $0x1  }
0x15: {  	[smem:$0x3FB8] =	sst s0;
	s0 =	simm.s32 @!p2 $0x0  }
0x16: {  	s3 =	sld [smem:$0x3FDB];
	s0 =	simm.s32 @p2 $0x1  }
0x17: {  	s4 =	simm.s32 $0x1BF5;
	[smem:$0x3FBA] =	sst s0  }
0x18: {  	s0 =	sld [smem:$0x3F9D];
	_ =	swait.ge [sflag:s4], $0x0  }
0x19: {  	s7 =	sld [smem:$0x3F9E]  }
0x1a: {  	s8 =	sadd.s32 $0xFFFFE003, lr  }
0x1b: {  	s9 =	sadd.s32 $0xFFFFFEF7, lr;
	s5 =	simm.s32 $0xFFFFFFFF;
	p2 =	slt.u32 s8, $0xFFFFF086  }
0x1c: {  	p1 =	slt.u32 s9, $0xF7A;
	s5 =	simm.s32 @!p2 $0x0  }
0x1d: {  	s5 =	simm.s32 @p1 $0x1;
	p0 =	seq.s32 s7, s2  }
0x1e: {  	s7 =	smul.u32 @!p0 $0xF7A, s2;
	p2 =	seq.s32 @!p0 s5, $0x0  }
0x1f: {  	s9 =	smul.u32 $0xF7A, s1;
	s8 =	simm.s32 @!p0 $0x1BF5;
	p2 =	por !p2, p0  }
0x20: {  	[sflag:s8] =	ssyncset.s32 @!p0 $0xFFFFF086;
	s6 =	sadd.s32 @!p0 s3, s7;
	s7 =	simm.s32 @!p0 $0x108  }
0x21: {  	s3 =	sadd.s32 s3, s9;
	s6 =	sadd.s32 @!p0 $0x88, s6;
	s7 =	simm.s32 @p2 $0x1082  }
0x22: {  	[simem:s7], [sflag:s8] =	dma.local @!p0 [hbm:s6], $0xF7A  }
0x23: {  	s9 =	sor.u32 $0xD0000000, s2;
	s6 =	simm.s32 $0x108;
	_ =	swait.ge @!p0 [sflag:s8], $0x0  }
0x24: {  	s3 =	sadd.s32 $0x88, s3;
	s6 =	simm.s32 @!p1 $0x1082;
	[sflag:s4] =	ssyncset.s32 $0xFFFFF086  }
0x25: {  	[simem:s6], [sflag:s4] =	dma.local [hbm:s3], $0xF7A  }
0x26: {  	[smem:$0x3F9E] =	sst s1;
	(tag) =	ssettag s2;
	_ =	strace s9  }
0x27: {  	s1 =	sld [smem:$0x3FAE]  }
0x28: {  	s2 =	sld [smem:$0x3FAF]  }
0x29: {  	s4 =	sld [smem:$0x3FB1]  }
0x2a: {  	p0 =	seq.s32 s5, $0x0;
	s5 =	sld [smem:$0x3FB2]  }
0x2b: {  	s6 =	sld [smem:$0x3FB3]  }
0x2c: {  	s7 =	sld [smem:$0x3FB4]  }
0x2d: {  	s3 =	simm.s32 $0x108;
	s8 =	sld [smem:$0x3FB5]  }
0x2e: {  	s3 =	simm.s32 @!p0 $0x1082;
	s9 =	sld [smem:$0x3FB6]  }
0x2f: {  	lr =	sadd.s32 s0, s3;
	s0 =	sld [smem:$0x3FAD]  }
0x30: {  	s3 =	sld [smem:$0x3FB0]  }
0x31: {  	[smem:$0x3FB9] =	sst s10  }
0x32: {  	s10 =	sld [smem:$0x3FB7];
	_ =	sdelay $0x3  }
0x33: {  	p0 =	seq.s32 s10, $0x1;
	s10 =	sld [smem:$0x3FB9];
	_ =	sdelay $0x3  }
0x34: {  	[smem:$0x3FB9] =	sst s10  }
0x35: {  	s10 =	sld [smem:$0x3FB8];
	_ =	sdelay $0x3  }
0x36: {  	p1 =	seq.s32 s10, $0x1;
	s10 =	sld [smem:$0x3FB9];
	_ =	sdelay $0x3  }
0x37: {  	[smem:$0x3FB9] =	sst s10  }
0x38: {  	s10 =	sld [smem:$0x3FBA]  }
0x39: {  	_ = 	snop;
	(pc) =	sbr.ind lr, $3  }
0x3a: {  	_ = 	snop  }
0x3b: {  	_ = 	snop  }
0x3c: {  	p2 =	seq.s32 s10, $0x1;
	s10 =	sld [smem:$0x3FB9]  }
0x3d: {  	_ =	shalt  }
0x3e: {  	_ =	shalt  }
0x3f: {  	_ =	shalt  }
0x40: {  	_ =	shalt  }
0x41: {  	_ =	shalt  }
0x42: {  	_ =	shalt  }
0x43: {  	_ =	shalt  }
0x44: {  	_ =	shalt  }
0x45: {  	_ =	shalt  }
0x46: {  	_ =	shalt  }
0x47: {  	_ =	shalt  }
0x48: {  	_ =	shalt  }
0x49: {  	_ =	shalt  }
0x4a: {  	_ =	shalt  }
0x4b: {  	_ =	shalt  }
0x4c: {  	_ =	shalt  }
0x4d: {  	_ =	shalt  }
0x4e: {  	_ =	shalt  }
0x4f: {  	_ =	shalt  }
0x50: {  	_ =	shalt  }
0x51: {  	_ =	shalt  }
0x52: {  	_ =	shalt  }
0x53: {  	_ =	shalt  }
0x54: {  	_ =	shalt  }
0x55: {  	_ =	shalt  }
0x56: {  	_ =	shalt  }
0x57: {  	_ =	shalt  }
0x58: {  	_ =	shalt  }
0x59: {  	_ =	shalt  }
0x5a: {  	_ =	shalt  }
0x5b: {  	_ =	shalt  }
0x5c: {  	_ =	shalt  }
0x5d: {  	_ =	shalt  }
0x5e: {  	_ =	shalt  }
0x5f: {  	_ =	shalt  }
0x60: {  	_ =	shalt  }
0x61: {  	_ =	shalt  }
0x62: {  	_ =	shalt  }
0x63: {  	_ =	shalt  }
0x64: {  	_ =	shalt  }
0x65: {  	_ =	shalt  }
0x66: {  	_ =	shalt  }
0x67: {  	_ =	shalt  }
0x68: {  	_ =	shalt  }
0x69: {  	_ =	shalt  }
0x6a: {  	_ =	shalt  }
0x6b: {  	_ =	shalt  }
0x6c: {  	_ =	shalt  }
0x6d: {  	_ =	shalt  }
0x6e: {  	_ =	shalt  }
0x6f: {  	_ =	shalt  }
0x70: {  	_ =	shalt  }
0x71: {  	_ =	shalt  }
0x72: {  	_ =	shalt  }
0x73: {  	_ =	shalt  }
0x74: {  	_ =	shalt  }
0x75: {  	_ =	shalt  }
0x76: {  	_ =	shalt  }
0x77: {  	_ =	shalt  }
0x78: {  	_ =	shalt  }
0x79: {  	_ =	shalt  }
0x7a: {  	_ =	shalt  }
0x7b: {  	_ =	shalt  }
0x7c: {  	_ =	shalt  }
0x7d: {  	_ =	shalt  }
0x7e: {  	_ =	shalt  }
0x7f: {  	_ =	shalt  }
0x80: {  	_ =	shalt  }
0x81: {  	_ =	shalt  }
0x82: {  	_ =	shalt  }
0x83: {  	_ =	shalt  }
0x84: {  	_ =	shalt  }
0x85: {  	_ =	shalt  }
0x86: {  	_ =	shalt  }
0x87: {  	_ =	shalt  }
.Lfunc_end0:
.L_simem_size_0:
called_computation_lowered:
.L_overlay_start_0:
0x88: {  	s2 =	sld [smem:$0x3FD9]  }
0x89: {  	s3 =	sld [smem:$0x3FFE];
	_ =	sdelay $0x1  }
0x8a: {  	s1 =	srdreg.scid  }
0x8b: {  	s0 =	sand.u32 $0x1, s1  }
0x8c: {  	s16 =	sshll.u32 s0, $0xA;
	s2 =	sadd.s32 s3, s2  }
0x8d: {  	s2 =	sadd.s32 s2, s16  }
0x8e: {  	[smem:$0x3FC5] =	sst s2  }
0x8f: {  	_ = 	snop  }
0x90: {  	(tm) =	ssettm $0x1  }
0x91: {  	s17 =	sld [smem:$0x3FFB];
	_ =	sdelay $0x3  }
0x92: {  	_ =	strace s17  }
0x93: {  	s2 =	sld [smem:$0x3FFC];
	_ =	sdelay $0x3  }
0x94: {  	_ =	strace s2  }
0x95: {  	s2 =	sld [smem:$0x3FFD];
	_ =	sdelay $0x3  }
0x96: {  	_ =	strace s2  }
0x97: {  	_ =	strace $0x8FFFFFFF  }
0x98: {  	s18 =	sld [smem:$0x3FDB];
	_ =	sdelay $0x1  }
0x99: {  	s19 =	simm.s32 $_scs_section_size  }
0x9a: {  	s4 =	simm.s32 $_size__tile_overlayer_lowered;
	s5 =	simm.s32 $_tile_overlayer_lowered  }
0x9b: {  	s22 =	simm.s32 $0x1BFF;
	s21 =	sshll.u32 s5, $0x1;
	s2 =	sadd.s32 s19, s18  }
0x9c: {  	s6 =	simm.s32 $0x0;
	s20 =	sshll.u32 s4, $0x1;
	s4 =	sadd.s32 s21, s2  }
0x9d: {  	[timem:s6], [sflag:s22] =	dma.local [hbm:s4], s20  }
0x9e: {  	_ =	swait.ge [sflag:s22], s20  }
0x9f: {  	s3 =	ssub.s32 $0x0, s20;
	[sflag:s22] =	ssyncset.done $0x0  }
0xa0: {  	[sflag:s22] =	ssyncadd.s32 s3;
	_ =	sdelay $0x1  }
0xa1: {  	s23 =	simm.s32 $0x1B8B  }
0xa2: {  	_ =	swait.ge [sflag:s23], $0x1  }
0xa3: {  	[sflag:s23] =	ssyncset.done $0x0  }
0xa4: {  	s25 =	simm.s32 $0x1B8E;
	s24 =	sld [smem:$0x3FFE];
	[sflag:s23] =	ssyncadd.s32 $0xFFFFFFFF  }
0xa5: {  	s26 =	simm.s32 $execute0_lowered;
	[smem:$0x3FD2] =	sst s25  }
0xa6: {  	s4 =	sshll.u32 s26, $0x1;
	_ =	strace $0x80000046;
	[dreg:$0x1] =	wrdreg $0xFFFFFFFF  }
0xa7: {  	s28 =	simm.s32 $_size_execute0_lowered;
	s2 =	sadd.s32 s2, s4;
	[dreg:$0x0] =	wrdreg $0x0  }
0xa8: {  	s4 =	sshll.u32 s28, $0x1;
	[dreg:$0x2] =	wrdreg s2  }
0xa9: {  	[dreg:$0x3] =	wrdreg s4  }
0xaa: {  	[dreg:$0x4] =	wrdreg $0xC0  }
0xab: {  	_ =	task [dreg:s6], $0x5FFFF  }
0xac: {  	[dreg:$0x1] =	wrdreg $0xFFFFFFFF  }
0xad: {  	[dreg:$0x0] =	wrdreg $0x60  }
0xae: {  	[dreg:$0x2] =	wrdreg s24  }
0xaf: {  	[dreg:$0x3] =	wrdreg $0xB7700  }
0xb0: {  	[dreg:$0x4] =	wrdreg $0x9  }
0xb1: {  	_ =	task.clear_ibuf [dreg:s6], $0x5FFFF;
	_ =	strace $0x90000046  }
0xb2: {  	s29 =	simm.s32 $0x9;
	_ =	strace $0x80000048  }
0xb3: {  	_ =	swait.ge [sflag:s29], $0x1  }
0xb4: {  	[sflag:s29] =	ssyncadd.s32 $0xFFFFFFFF  }
0xb5: {  	_ =	strace $0x90000048  }
0xb6: {  	_ =	sfence  }
0xb7: {  	s30 =	sld [smem:$0x0];
	_ =	sdelay $0x2  }
0xb8: {  	s31 =	sshll.u32 s1, $0xD;
	s1 =	sshrl.u32 s1, $0x2  }
0xb9: {  	s3 =	sand.u32 $0x4000, s31;
	s1 =	sadd.s32 s1, s30  }
0xba: {  	s0 =	sor.u32 s3, s0;
	s1 =	sshll.u32 s1, $0x11  }
0xbb: {  	s0 =	sor.u32 s1, s0  }
0xbc: {  	s0 =	sadd.s32 $0x8F2B, s0  }
0xbd: {  	[sflag:s0] =	ssyncadd.remote.s32 $0x1  }
0xbe: {  	_ =	sfence.sel $0xFFFF  }
0xbf: {  	[dreg:$0x0] =	wrdreg $0xFFFFFFFF;
	(pc) =	sbr.abs _section_cstart, $3  }
0xc0: {  	[dreg:$0x1] =	wrdreg $0xFFFFFFFF  }
0xc1: {  	_ =	task.clear_ibuf [dreg:s6], $0x2FFFF;
	_ =	strace $0x9FFFFFFF  }
0xc2: {  	(tm) =	ssettm $0x7FFFFFFF  }
0xc3: {  	_ =	shalt  }
tec
execute0_lowered:
.L_overlay_start_1:
0x0: {  	(tag) =	ssettag $0x1  }
0x1: {  	s0 =	rddreg [dreg:$0x0]  }
0x2: {  	s1 =	rddreg [dreg:$0x1]  }
0x3: {  	s2 =	simm.s32 $0x0;
	s25 =	srdreg.scid;
	s10 =	stileid.u32  }
0x4: {  	s12 =	simm.s32 $0x5;
	s13 =	simm.s32 $0x7D0;
	s14 =	simm.s32 $0x50  }
0x5: {  	s15 =	simm.s32 $0xFA0;
	s16 =	simm.s32 $0x5FA0;
	s17 =	simm.s32 $0x37A0  }
0x6: {  	s18 =	simm.s32 $0x820;
	s19 =	simm.s32 $0x87A0;
	s20 =	simm.s32 $0x1  }
0x7: {  	s21 =	simm.s32 $0x2;
	s22 =	simm.s32 $0x3;
	[smem:$0x7FF] =	sst s2  }
0x8: {  	s4 =	sadd.s32 $0x27200, s0;
	s5 =	sadd.s32 $0x31000, s0;
	s2 =	sand.u32 $0x1, s25  }
0x9: {  	s7 =	sshll.u32 s10, $0x1;
	s8 =	smul.u32 $0x27100, s10;
	s6 =	sadd.s32 $0x3AE00, s0  }
0xa: {  	s28 =	sshll.u32 s10, $0x6;
	_ =	strace $0x80000047;
	s3 =	ssub.s32 $0x2, s2  }
0xb: {  	s2 =	sor.u32 s2, s7;
	s29 =	sor.u32 $0x1C05, s28;
	s9 =	sshrl.u32 s3, $0x1  }
0xc: {  	s7 =	smul.u32 $0x2710, s2;
	s26 =	sshrl.u32 s8, $0x1;
	s8 =	sshrl.u32 s8, $0x4  }
0xd: {  	[dreg:$0x4] =	wrdreg s29;
	s3 =	ssub.s32 s3, s9;
	s0 =	sadd.s32 s0, s8  }
0xe: {  	s2 =	sadd.s32 s26, s1;
	[dreg:$0x3] =	wrdreg s0;
	s30 =	smax.u32 s3, $0x1  }
0xf: {  	s23 =	simm.s32 $0x4;
	s31 =	sshrl.u32 s2, $0x3;
	[dreg:$0x5] =	wrdreg s30  }
0x10: {  	v0 =	vlaneseq.u32;
	s24 =	simm.s32 $0xAFA0;
	s2 =	simm.s32 $0x0;
	[dreg:$0x6] =	wrdreg s31  }
.LBB2_1:
0x11: {  	[dreg:$0x7] =	wrdreg s2  }
0x12: {  	s0 =	rddreg [dreg:$0x3]  }
0x13: {  	s31 =	rddreg [dreg:$0x4]  }
0x14: {  	s3 =	rddreg [dreg:$0x6]  }
0x15: {  	[spmem:s3], [sflag:s31] =	dma.local [hbm:s0], $0x2710  }
0x16: {  	_ =	swait.ge [sflag:s12], $0x2710  }
0x17: {  	[sflag:s12] =	ssyncset.done $0x0  }
0x18: {  	[sflag:s12] =	ssyncadd.s32 $0xFFFFD8F0  }
0x19: {  	s26 =	simm.s32 $0x0;
	[bflag:$0x0] =	sbarrier.arrive $0xFFFF  }
.LBB2_2:
0x1a: {  	s0 =	smul.u32 $0x7D0, s26;
	_ =	sdelay $0x1  }
0x1b: {  	s0 =	sadd.s32 s7, s0  }
0x1c: {  	s28 =	sshrl.u32 s0, $0x3  }
0x1d: {  	s29 =	simm.s32 $0x0;
	s0 =	sadd.s32 s4, s28  }
0x1e: {  	[tilespmem:s29], [sflag:$0x5] =	stream.linear.gather [hbm4b:s0+s29], $0x7D0, $0x38;
	[tilespmem:$0x1EFF0] =	vst v63  }
0x1f: {  	_ =	swait.ge [sflag:s12], $0x7D0  }
0x20: {  	[sflag:s12] =	ssyncset.done $0x0  }
0x21: {  	s31 =	sadd.s32 s5, s28;
	[sflag:s12] =	ssyncadd.s32 $0xFFFFF830  }
0x22: {  	[tilespmem:s13], [sflag:$0x5] =	stream.linear.gather [hbm4b:s31+s29], $0x7D0, $0x38;
	[tilespmem:$0x1EFF0] =	vst v63  }
0x23: {  	_ =	swait.ge [sflag:s12], $0x7D0  }
0x24: {  	[sflag:s12] =	ssyncset.done $0x0  }
0x25: {  	[sflag:s12] =	ssyncadd.s32 $0xFFFFF830  }
0x26: {  	[tilespmem:s15], [sflag:$0x1] =	stream.indirect.gather [spmem:s1], $0x80, s29, s14, $0xb8;
	[tilespmem:$0x1EFF0] =	vst v63  }
0x27: {  	_ = 	snop  }
0x28: {  	[tilespmem:s16], [sflag:$0x2] =	stream.indirect.gather [spmem:s1], $0x80, s13, s14, $0xb8;
	[tilespmem:$0x1EFF0] =	vst v63  }
0x29: {  	_ = 	snop  }
0x2a: {  	[tilespmem:s17], [sflag:$0x3] =	stream.indirect.gather [spmem:s1], $0x80, s14, s14, $0xb8;
	[tilespmem:$0x1EFF0] =	vst v63  }
0x2b: {  	_ = 	snop  }
0x2c: {  	[tilespmem:s19], [sflag:$0x4] =	stream.indirect.gather [spmem:s1], $0x80, s18, s14, $0xb8;
	[tilespmem:$0x1EFF0] =	vst v63  }
.LBB2_3:
0x2d: {  	_ =	swait.ge [sflag:s20], $0x2800  }
0x2e: {  	s0 =	smul.u32 $0x280, s29;
	[sflag:s20] =	ssyncset.done $0x0  }
0x2f: {  	[sflag:s20] =	ssyncadd.s32 $0xFFFFD800  }
0x30: {  	s31 =	sshra.s32 s0, $0x2;
	_ =	swait.ge [sflag:s21], $0x2800  }
0x31: {  	s30 =	simm.s32 $0xFE0;
	s2 =	sadd.s32 $0xAFA0, s31;
	[sflag:s21] =	ssyncset.done $0x0  }
0x32: {  	s3 =	simm.s32 $0x0;
	s0 =	simm.s32 $0x5FE0;
	v1 =	vmov s2;
	[sflag:s21] =	ssyncadd.s32 $0xFFFFD800  }
.LBB2_4:
0x33: {  	v2 =	vld [tilespmem:s0+$0x20]  }
0x34: {  	v3 =	vld [tilespmem:s30+$0x20]  }
0x35: {  	v4 =	vld [tilespmem:s0+$0x0]  }
0x36: {  	v5 =	vld [tilespmem:s30+$0x0]  }
0x37: {  	v6 =	vld [tilespmem:s0+$0x10]  }
0x38: {  	v7 =	vld [tilespmem:s0+$0xFFFFFFE0]  }
0x39: {  	v8 =	vld [tilespmem:s0+$0xFFFFFFF0]  }
0x3a: {  	v9 =	vld [tilespmem:s30+$0xFFFFFFC0]  }
0x3b: {  	v10 =	vld [tilespmem:s0+$0xFFFFFFD0]  }
0x3c: {  	v11 =	vld [tilespmem:s30+$0xFFFFFFD0]  }
0x3d: {  	v12 =	vld [tilespmem:s0+$0xFFFFFFC0]  }
0x3e: {  	v13 =	vld [tilespmem:s30+$0xFFFFFFF0]  }
0x3f: {  	v14 =	vld [tilespmem:s30+$0xFFFFFFE0]  }
0x40: {  	v15 =	vld [tilespmem:s30+$0x10]  }
0x41: {  	v16 =	vld [tilespmem:s0+$0x30]  }
0x42: {  	v17 =	vld [tilespmem:s30+$0x30];
	s8 =	sadd.s32 $0x80, s0  }
0x43: {  	s2 =	sadd.s32 $0x80, s30;
	v18 =	vld [tilespmem:s8+$0x20]  }
0x44: {  	v20 =	vld [tilespmem:s2+$0x0];
	v19 =	vmul.bf16 v2, v3;
	v3 =	vmul.bf16 v4, v5  }
0x45: {  	v22 =	vld [tilespmem:s8+$0x10];
	v5 =	vmul.bf16 v10, v11;
	v9 =	vmul.bf16 v12, v9  }
0x46: {  	v24 =	vld [tilespmem:s8+$0xFFFFFFF0];
	v2 =	vimm.f32 $0.0e+00;
	v7 =	vmul.bf16 v7, v14;
	v8 =	vmul.bf16 v8, v13  }
0x47: {  	v4 =	vld [tilespmem:s2+$0x20];
	v16 =	vmul.bf16 v16, v17;
	v6 =	vmul.bf16 v6, v15;
	v11 =	vunpack.i.l.bf16.f32 v19  }
0x48: {  	v10 =	vld [tilespmem:s8+$0x0];
	v12 =	vunpack.i.l.bf16.f32 v3;
	v21 =	vunpack.i.u.bf16.f32 v5;
	v14 =	vunpack.i.l.bf16.f32 v9  }
0x49: {  	v5 =	vunpack.i.l.bf16.f32 v5;
	v9 =	vunpack.i.u.bf16.f32 v9;
	v13 =	vadd.f32 $0.0e+00, v14;
	v14 =	vld [tilespmem:s8+$0xFFFFFFE0]  }
0x4a: {  	v23 =	vunpack.i.l.bf16.f32 v7;
	v5 =	vadd.f32 $0.0e+00, v5;
	v17 =	vadd.f32 $0.0e+00, v21;
	v21 =	vld [tilespmem:s8+$0xFFFFFFD0]  }
0x4b: {  	v25 =	vunpack.i.u.bf16.f32 v8;
	v9 =	vadd.f32 $0.0e+00, v9;
	v13 =	vadd.f32 v23, v13;
	v23 =	vld [tilespmem:s2+$0xFFFFFFC0]  }
0x4c: {  	v7 =	vunpack.i.u.bf16.f32 v7;
	v8 =	vunpack.i.l.bf16.f32 v8;
	v15 =	vadd.f32 v25, v17;
	v17 =	vld [tilespmem:s8+$0xFFFFFFC0]  }
0x4d: {  	v7 =	vadd.f32 v7, v9;
	v9 =	vunpack.i.u.bf16.f32 v3;
	v5 =	vadd.f32 v8, v5;
	v8 =	vld [tilespmem:s2+$0xFFFFFFF0]  }
0x4e: {  	v3 =	vmul.bf16 v18, v4;
	v10 =	vmul.bf16 v10, v20;
	v12 =	vadd.f32 v12, v13;
	v13 =	vld [tilespmem:s2+$0xFFFFFFD0]  }
0x4f: {  	v18 =	vld [tilespmem:s2+$0x10];
	v4 =	vadd.f32 v9, v7;
	v7 =	vunpack.i.u.bf16.f32 v6;
	v6 =	vunpack.i.l.bf16.f32 v6  }
0x50: {  	v9 =	vunpack.i.u.bf16.f32 v19;
	v62 =	vunpack.i.l.bf16.f32 v3;
	v19 =	vld [tilespmem:s8+$0x30];
	v5 =	vadd.f32 v6, v5  }
0x51: {  	v20 =	vunpack.i.l.bf16.f32 v10;
	v7 =	vadd.f32 v7, v15;
	v11 =	vadd.f32 v11, v12;
	v12 =	vld [tilespmem:s2+$0xFFFFFFE0]  }
0x52: {  	s25 =	sadd.s32 $0x80, s2;
	v6 =	vunpack.i.u.bf16.f32 v16;
	v15 =	vunpack.i.l.bf16.f32 v16;
	v16 =	vmul.bf16 v17, v23;
	v17 =	vld [tilespmem:s2+$0x30]  }
0x53: {  	s11 =	sadd.s32 $0x80, s8;
	v6 =	vadd.f32 v6, v7;
	v23 =	vld [tilespmem:s25+$0x20];
	v5 =	vadd.f32 v15, v5;
	v13 =	vmul.bf16 v21, v13  }
0x54: {  	v4 =	vadd.f32 v9, v4;
	v7 =	vld [tilespmem:s11+$0x0];
	v8 =	vmul.bf16 v24, v8;
	v18 =	vmul.bf16 v22, v18  }
0x55: {  	v21 =	vld [tilespmem:s11+$0x20];
	v15 =	vunpack.i.l.bf16.f32 v16;
	v63 =	vadd.f32 v5, v6;
	v9 =	vunpack.i.l.bf16.f32 v13  }
0x56: {  	v6 =	vld [tilespmem:s11+$0xFFFFFFE0];
	v12 =	vmul.bf16 v14, v12;
	v14 =	vunpack.i.u.bf16.f32 v16;
	v16 =	vadd.f32 v11, v4  }
0x57: {  	v5 =	vld [tilespmem:s11+$0xFFFFFFF0];
	v13 =	vunpack.i.u.bf16.f32 v13;
	v11 =	vadd.f32 $0.0e+00, v15;
	v26 =	vadd.f32 $0.0e+00, v9  }
0x58: {  	v4 =	vld [tilespmem:s11+$0x10];
	v14 =	vadd.f32 $0.0e+00, v14;
	v15 =	vunpack.i.l.bf16.f32 v12;
	v28 =	vunpack.i.u.bf16.f32 v12  }
0x59: {  	v9 =	vld [tilespmem:s25+$0x0];
	v15 =	vadd.f32 v15, v11;
	v11 =	vmul.bf16 v19, v17;
	v17 =	vadd.f32 v63, v16  }
0x5a: {  	v27 =	vunpack.i.u.bf16.f32 v8;
	v12 =	vld [tilespmem:s25+$0xFFFFFFC0];
	v16 =	vadd.f32 $0.0e+00, v13;
	v14 =	vadd.f32 v28, v14  }
0x5b: {  	v19 =	vunpack.i.u.bf16.f32 v10;
	v13 =	vld [tilespmem:s11+$0xFFFFFFD0];
	v10 =	vmul.bf16 v21, v23;
	v21 =	vadd.f32 v20, v15  }
0x5c: {  	s10 =	simm.s32 $0x0;
	v8 =	vunpack.i.l.bf16.f32 v8;
	v15 =	vld [tilespmem:s25+$0xFFFFFFD0];
	v16 =	vadd.f32 v27, v16;
	v14 =	vadd.f32 v19, v14;
	(xrf2) =	vadd.scan.msk.f32 $0xffff, v17  }
0x5d: {  	s9 =	simm.s32 $0x1;
	s8 =	simm.s32 $0x2;
	s2 =	simm.s32 $0x3;
	v17 =	vld [tilespmem:s11+$0xFFFFFFC0];
	v20 =	vadd.f32 v8, v26;
	v19 =	vunpack.i.u.bf16.f32 v18;
	v8 =	vadd.f32 v62, v21  }
.LBB2_5:
0x5e: {  	p0 =	sne.s32 s2, $0xF;
	v23 =	vmov s10;
	s10 =	smov.u32 s9  }
0x5f: {  	v21 =	vld [tilespmem:s25+$0xFFFFFFF0];
	v22 =	vunpack.i.u.bf16.f32 v3;
	v3 =	vmov v10;
	s9 =	smov.u32 s8;
	s8 =	smov.u32 s2;
	s2 =	sadd.s32 $0x1, s2  }
0x60: {  	v18 =	vunpack.i.l.bf16.f32 v18;
	v10 =	vld [tilespmem:s25+$0xFFFFFFE0];
	v24 =	vunpack.i.l.bf16.f32 v3;
	vm0 =	veq.s32 v23, v0  }
0x61: {  	v23 =	vmul.bf16 v7, v9;
	v7 =	vadd.f32 v18, v20;
	v9 =	vunpack.i.u.bf16.f32 v11;
	v25 =	vld [tilespmem:s25+$0x10]  }
0x62: {  	v16 =	vadd.f32 v19, v16;
	v11 =	vunpack.i.l.bf16.f32 v11;
	v13 =	vmul.bf16 v13, v15;
	v15 =	vld [tilespmem:s11+$0x30]  }
0x63: {  	v14 =	vadd.f32 v22, v14;
	s11 =	sadd.s32 $0x80, s11;
	v12 =	vmul.bf16 v17, v12;
	v17 =	vunpack.i.l.bf16.f32 v23;
	v18 =	vld [tilespmem:s25+$0x30]  }
0x64: {  	v16 =	vadd.f32 v9, v16;
	s25 =	sadd.s32 $0x80, s25;
	v19 =	vld [tilespmem:s11+$0x20];
	v20 =	vunpack.i.u.bf16.f32 v13;
	v13 =	vunpack.i.l.bf16.f32 v13  }
0x65: {  	v22 =	vld [tilespmem:s25+$0x20];
	v26 =	vadd.f32 $0.0e+00, v13;
	v10 =	vmul.bf16 v6, v10;
	v6 =	vadd.f32 v11, v7  }
0x66: {  	v21 =	vmul.bf16 v5, v21;
	v11 =	vunpack.i.u.bf16.f32 v12;
	v12 =	vunpack.i.l.bf16.f32 v12;
	v7 =	vld [tilespmem:s11+$0x0];
	v5, _, _ =	vpop (xrf2)  }
0x67: {  	v8 =	vadd.f32 v8, v14;
	v9 =	vld [tilespmem:s25+$0x0];
	v13 =	vadd.f32 v6, v16;
	v5 =	vbroadcast v5, $0xF  }
0x68: {  	v12 =	vadd.f32 $0.0e+00, v12;
	v14 =	vunpack.i.l.bf16.f32 v10;
	v16 =	vunpack.i.u.bf16.f32 v21;
	v27 =	vld [tilespmem:s11+$0x10]  }
0x69: {  	v28 =	vadd.f32 $0.0e+00, v11;
	v10 =	vunpack.i.u.bf16.f32 v10;
	v6 =	vld [tilespmem:s11+$0xFFFFFFE0];
	v2 =	vsel vm0, v5, v2  }
.Ltmp0:
0x6a: {  	v14 =	vadd.f32 v14, v12;
	v11 =	vmul.bf16 v15, v18;
	v8 =	vadd.f32 v13, v8;
	v5 =	vld [tilespmem:s11+$0xFFFFFFF0];
	(pc) =	sbr.rel @p0 .LBB2_5-.Ltmp0, $4  }
0x6b: {  	v23 =	vunpack.i.u.bf16.f32 v23;
	v20 =	vadd.f32 $0.0e+00, v20;
	v28 =	vadd.f32 v10, v28;
	v12 =	vld [tilespmem:s25+$0xFFFFFFC0]  }
0x6c: {  	v18 =	vmul.bf16 v4, v25;
	v10 =	vmul.bf16 v19, v22;
	v22 =	vadd.f32 v17, v14;
	v13 =	vld [tilespmem:s11+$0xFFFFFFD0];
	(xrf2) =	vadd.scan.msk.f32 $0xffff, v8  }
0x6d: {  	v16 =	vadd.f32 v16, v20;
	v14 =	vadd.f32 v23, v28;
	v8 =	vunpack.i.l.bf16.f32 v21;
	v15 =	vld [tilespmem:s25+$0xFFFFFFD0];
	v4 =	vmovc v27  }
0x6e: {  	v19 =	vunpack.i.u.bf16.f32 v18;
	v20 =	vadd.f32 v8, v26;
	v8 =	vadd.f32 v24, v22;
	v17 =	vld [tilespmem:s11+$0xFFFFFFC0]  }
0x6f: {  	v21 =	vld [tilespmem:s25+$0xFFFFFFE0]  }
0x70: {  	v41 =	vld [tilespmem:s25+$0xFFFFFFF0]  }
0x71: {  	v3 =	vunpack.i.u.bf16.f32 v3;
	v46 =	vld [tilespmem:s25+$0x10]  }
0x72: {  	v22 =	vunpack.i.l.bf16.f32 v10;
	v18 =	vunpack.i.l.bf16.f32 v18;
	v7 =	vmul.bf16 v7, v9;
	v47 =	vld [tilespmem:s11+$0x30]  }
0x73: {  	v42 =	vadd.f32 v19, v16;
	v43 =	vunpack.i.u.bf16.f32 v11;
	v44 =	vunpack.i.l.bf16.f32 v11;
	v49 =	vld [tilespmem:s25+$0x30]  }
0x74: {  	v18 =	vadd.f32 v18, v20;
	v3 =	vadd.f32 v3, v14;
	v13 =	vmul.bf16 v13, v15  }
0x75: {  	v48 =	vunpack.i.l.bf16.f32 v7;
	v7 =	vunpack.i.u.bf16.f32 v7;
	v15 =	vadd.f32 v43, v42  }
0x76: {  	v11 =	vadd.f32 v44, v18;
	v12 =	vmul.bf16 v17, v12;
	v45 =	vunpack.i.l.bf16.f32 v13  }
0x77: {  	v6 =	vmul.bf16 v6, v21;
	v5 =	vmul.bf16 v5, v41;
	v13 =	vunpack.i.u.bf16.f32 v13  }
0x78: {  	v4 =	vmul.bf16 v4, v46;
	v53 =	vmul.bf16 v47, v49;
	v14 =	vadd.f32 $0.0e+00, v45  }
0x79: {  	v17 =	vunpack.i.l.bf16.f32 v12;
	v12 =	vunpack.i.u.bf16.f32 v12;
	v13 =	vadd.f32 $0.0e+00, v13  }
0x7a: {  	v17 =	vadd.f32 $0.0e+00, v17;
	v50 =	vunpack.i.l.bf16.f32 v6;
	v12 =	vadd.f32 $0.0e+00, v12  }
0x7b: {  	v51 =	vunpack.i.u.bf16.f32 v5;
	v6 =	vunpack.i.u.bf16.f32 v6;
	v5 =	vunpack.i.l.bf16.f32 v5  }
0x7c: {  	v54 =	vunpack.i.u.bf16.f32 v4;
	v52 =	vadd.f32 v51, v13;
	v5 =	vadd.f32 v5, v14  }
0x7d: {  	v4 =	vunpack.i.l.bf16.f32 v4;
	v9 =	vadd.f32 v50, v17;
	v6 =	vadd.f32 v6, v12  }
0x7e: {  	v57 =	vunpack.i.u.bf16.f32 v53;
	v4 =	vadd.f32 v4, v5;
	v56 =	vadd.f32 v54, v52  }
0x7f: {  	v58 =	vunpack.i.l.bf16.f32 v53;
	v9 =	vadd.f32 v48, v9;
	v6 =	vadd.f32 v7, v6  }
0x80: {  	v55 =	vunpack.i.u.bf16.f32 v10;
	v5 =	vadd.f32 v57, v56;
	v4 =	vadd.f32 v58, v4  }
0x81: {  	v9 =	vadd.f32 v22, v9;
	v6 =	vadd.f32 v55, v6  }
0x82: {  	v3 =	vadd.f32 v8, v3;
	v59 =	vadd.f32 v11, v15  }
0x83: {  	v4 =	vadd.f32 v4, v5;
	v6 =	vadd.f32 v9, v6  }
0x84: {  	v3 =	vadd.f32 v59, v3  }
0x85: {  	v4 =	vadd.f32 v4, v6  }
0x86: {  	(xrf2) =	vadd.scan.msk.f32 $0xffff, v3  }
0x87: {  	(xrf2) =	vadd.scan.msk.f32 $0xffff, v4;
	_ =	sdelay $0x6  }
0x88: {  	v3, _, _ =	vpop (xrf2)  }
0x89: {  	v60 =	vmov s10;
	s2 =	sshll.u32 s3, $0x4;
	s3 =	sadd.s32 $0x1, s3;
	v3 =	vbroadcast v3, $0xF  }
0x8a: {  	vm0 =	veq.s32 v60, v0;
	p0 =	sne.s32 s3, $0x5;
	v61, _, _ =	vpop (xrf2)  }
.Ltmp1:
0x8b: {  	v2 =	vsel vm0, v3, v2;
	v3 =	vmov s9;
	v62 =	vbroadcast v61, $0xF;
	v63, _, _ =	vpop (xrf2);
	(pc) =	sbr.rel @p0 .LBB2_4-.Ltmp1, $4  }
0x8c: {  	vm14 =	veq.s32 v3, v0;
	v3 =	vmov s8;
	v5 =	vbroadcast v63, $0xF  }
0x8d: {  	vm15 =	veq.s32 v3, v0;
	v2 =	vsel vm14, v62, v2  }
0x8e: {  	s2 =	sand.u32 $0x3FFFFFF0, s2;
	v2 =	vsel vm15, v5, v2  }
0x8f: {  	s30 =	sadd.s32 $0x800, s30;
	s0 =	sadd.s32 $0x800, s0;
	[tilespmem:v1+s2+$0x0 ss:$0x1] =	vst.idx.msk $0xffff, v2  }
0x90: {  	s30 =	smul.u32 $0xA0, s29;
	_ =	sdelay $0x1  }
0x91: {  	s0 =	sadd.s32 $0xA0, s30  }
0x92: {  	[tilespmem:s15], [sflag:$0x1] =	stream.indirect.gather [spmem:s1], $0x80, s0, s14, $0xb8;
	[tilespmem:$0x1EFF0] =	vst v63  }
0x93: {  	s25 =	sadd.s32 $0x870, s30  }
0x94: {  	[tilespmem:s16], [sflag:$0x2] =	stream.indirect.gather [spmem:s1], $0x80, s25, s14, $0xb8;
	[tilespmem:$0x1EFF0] =	vst v63  }
0x95: {  	_ =	swait.ge [sflag:s22], $0x2800  }
0x96: {  	[sflag:s22] =	ssyncset.done $0x0  }
0x97: {  	[sflag:s22] =	ssyncadd.s32 $0xFFFFD800  }
0x98: {  	_ =	swait.ge [sflag:s23], $0x2800  }
0x99: {  	s2 =	sadd.s32 $0xAFF0, s31;
	s31 =	simm.s32 $0x0;
	[sflag:s23] =	ssyncset.done $0x0  }
0x9a: {  	s3 =	simm.s32 $0x8810;
	v1 =	vmov s2;
	s0 =	simm.s32 $0x3810;
	[sflag:s23] =	ssyncadd.s32 $0xFFFFD800  }
.LBB2_8:
0x9b: {  	v2 =	vld [tilespmem:s3+$0xFFFFFFF0]  }
0x9c: {  	v3 =	vld [tilespmem:s0+$0xFFFFFFF0]  }
0x9d: {  	v4 =	vld [tilespmem:s3+$0xFFFFFFD0]  }
0x9e: {  	v5 =	vld [tilespmem:s0+$0xFFFFFFD0]  }
0x9f: {  	v6 =	vld [tilespmem:s3+$0xFFFFFFE0]  }
0xa0: {  	v7 =	vld [tilespmem:s3+$0xFFFFFFB0]  }
0xa1: {  	v8 =	vld [tilespmem:s3+$0xFFFFFFC0]  }
0xa2: {  	v9 =	vld [tilespmem:s0+$0xFFFFFF90]  }
0xa3: {  	v10 =	vld [tilespmem:s3+$0xFFFFFFA0]  }
0xa4: {  	v11 =	vld [tilespmem:s0+$0xFFFFFFA0]  }
0xa5: {  	v12 =	vld [tilespmem:s3+$0xFFFFFF90]  }
0xa6: {  	v13 =	vld [tilespmem:s0+$0xFFFFFFC0]  }
0xa7: {  	v14 =	vld [tilespmem:s0+$0xFFFFFFB0]  }
0xa8: {  	v15 =	vld [tilespmem:s0+$0xFFFFFFE0]  }
0xa9: {  	v16 =	vld [tilespmem:s3+$0x0]  }
0xaa: {  	v17 =	vld [tilespmem:s0+$0x0];
	s8 =	sadd.s32 $0x80, s3  }
0xab: {  	s2 =	sadd.s32 $0x80, s0;
	v18 =	vld [tilespmem:s8+$0xFFFFFFF0]  }
0xac: {  	v20 =	vld [tilespmem:s2+$0xFFFFFFD0];
	v19 =	vmul.bf16 v2, v3;
	v3 =	vmul.bf16 v4, v5  }
0xad: {  	v22 =	vld [tilespmem:s8+$0xFFFFFFE0];
	v5 =	vmul.bf16 v10, v11;
	v9 =	vmul.bf16 v12, v9  }
0xae: {  	v24 =	vld [tilespmem:s8+$0xFFFFFFC0];
	v2 =	vimm.f32 $0.0e+00;
	v7 =	vmul.bf16 v7, v14;
	v8 =	vmul.bf16 v8, v13  }
0xaf: {  	v4 =	vld [tilespmem:s2+$0xFFFFFFF0];
	v16 =	vmul.bf16 v16, v17;
	v6 =	vmul.bf16 v6, v15;
	v11 =	vunpack.i.l.bf16.f32 v19  }
0xb0: {  	v10 =	vld [tilespmem:s8+$0xFFFFFFD0];
	v12 =	vunpack.i.l.bf16.f32 v3;
	v21 =	vunpack.i.u.bf16.f32 v5;
	v14 =	vunpack.i.l.bf16.f32 v9  }
0xb1: {  	v5 =	vunpack.i.l.bf16.f32 v5;
	v9 =	vunpack.i.u.bf16.f32 v9;
	v13 =	vadd.f32 $0.0e+00, v14;
	v14 =	vld [tilespmem:s8+$0xFFFFFFB0]  }
0xb2: {  	v23 =	vunpack.i.l.bf16.f32 v7;
	v5 =	vadd.f32 $0.0e+00, v5;
	v17 =	vadd.f32 $0.0e+00, v21;
	v21 =	vld [tilespmem:s8+$0xFFFFFFA0]  }
0xb3: {  	v25 =	vunpack.i.u.bf16.f32 v8;
	v9 =	vadd.f32 $0.0e+00, v9;
	v13 =	vadd.f32 v23, v13;
	v23 =	vld [tilespmem:s2+$0xFFFFFF90]  }
0xb4: {  	v7 =	vunpack.i.u.bf16.f32 v7;
	v8 =	vunpack.i.l.bf16.f32 v8;
	v15 =	vadd.f32 v25, v17;
	v17 =	vld [tilespmem:s8+$0xFFFFFF90]  }
0xb5: {  	v7 =	vadd.f32 v7, v9;
	v9 =	vunpack.i.u.bf16.f32 v3;
	v5 =	vadd.f32 v8, v5;
	v8 =	vld [tilespmem:s2+$0xFFFFFFC0]  }
0xb6: {  	v3 =	vmul.bf16 v18, v4;
	v10 =	vmul.bf16 v10, v20;
	v12 =	vadd.f32 v12, v13;
	v13 =	vld [tilespmem:s2+$0xFFFFFFA0]  }
0xb7: {  	v18 =	vld [tilespmem:s2+$0xFFFFFFE0];
	v4 =	vadd.f32 v9, v7;
	v7 =	vunpack.i.u.bf16.f32 v6;
	v6 =	vunpack.i.l.bf16.f32 v6  }
0xb8: {  	v9 =	vunpack.i.u.bf16.f32 v19;
	v62 =	vunpack.i.l.bf16.f32 v3;
	v19 =	vld [tilespmem:s8+$0x0];
	v5 =	vadd.f32 v6, v5  }
0xb9: {  	v20 =	vunpack.i.l.bf16.f32 v10;
	v7 =	vadd.f32 v7, v15;
	v11 =	vadd.f32 v11, v12;
	v12 =	vld [tilespmem:s2+$0xFFFFFFB0]  }
0xba: {  	s11 =	sadd.s32 $0x80, s2;
	v6 =	vunpack.i.u.bf16.f32 v16;
	v15 =	vunpack.i.l.bf16.f32 v16;
	v16 =	vmul.bf16 v17, v23;
	v17 =	vld [tilespmem:s2+$0x0]  }
0xbb: {  	s10 =	sadd.s32 $0x80, s8;
	v6 =	vadd.f32 v6, v7;
	v23 =	vld [tilespmem:s11+$0xFFFFFFF0];
	v5 =	vadd.f32 v15, v5;
	v13 =	vmul.bf16 v21, v13  }
0xbc: {  	v4 =	vadd.f32 v9, v4;
	v7 =	vld [tilespmem:s10+$0xFFFFFFD0];
	v8 =	vmul.bf16 v24, v8;
	v18 =	vmul.bf16 v22, v18  }
0xbd: {  	v21 =	vld [tilespmem:s10+$0xFFFFFFF0];
	v15 =	vunpack.i.l.bf16.f32 v16;
	v63 =	vadd.f32 v5, v6;
	v9 =	vunpack.i.l.bf16.f32 v13  }
0xbe: {  	v6 =	vld [tilespmem:s10+$0xFFFFFFB0];
	v12 =	vmul.bf16 v14, v12;
	v14 =	vunpack.i.u.bf16.f32 v16;
	v16 =	vadd.f32 v11, v4  }
0xbf: {  	v5 =	vld [tilespmem:s10+$0xFFFFFFC0];
	v13 =	vunpack.i.u.bf16.f32 v13;
	v11 =	vadd.f32 $0.0e+00, v15;
	v26 =	vadd.f32 $0.0e+00, v9  }
0xc0: {  	v4 =	vld [tilespmem:s10+$0xFFFFFFE0];
	v14 =	vadd.f32 $0.0e+00, v14;
	v15 =	vunpack.i.l.bf16.f32 v12;
	v28 =	vunpack.i.u.bf16.f32 v12  }
0xc1: {  	v9 =	vld [tilespmem:s11+$0xFFFFFFD0];
	v15 =	vadd.f32 v15, v11;
	v11 =	vmul.bf16 v19, v17;
	v17 =	vadd.f32 v63, v16  }
0xc2: {  	v27 =	vunpack.i.u.bf16.f32 v8;
	v12 =	vld [tilespmem:s11+$0xFFFFFF90];
	v16 =	vadd.f32 $0.0e+00, v13;
	v14 =	vadd.f32 v28, v14  }
0xc3: {  	v19 =	vunpack.i.u.bf16.f32 v10;
	v13 =	vld [tilespmem:s10+$0xFFFFFFA0];
	v10 =	vmul.bf16 v21, v23;
	v21 =	vadd.f32 v20, v15  }
0xc4: {  	s9 =	simm.s32 $0x2;
	v8 =	vunpack.i.l.bf16.f32 v8;
	v15 =	vld [tilespmem:s11+$0xFFFFFFA0];
	v16 =	vadd.f32 v27, v16;
	v14 =	vadd.f32 v19, v14;
	(xrf2) =	vadd.scan.msk.f32 $0xffff, v17  }
0xc5: {  	s25 =	simm.s32 $0x0;
	s8 =	simm.s32 $0x1;
	s2 =	simm.s32 $0x3;
	v17 =	vld [tilespmem:s10+$0xFFFFFF90];
	v20 =	vadd.f32 v8, v26;
	v19 =	vunpack.i.u.bf16.f32 v18;
	v8 =	vadd.f32 v62, v21  }
.LBB2_9:
0xc6: {  	p0 =	sne.s32 s2, $0xF;
	v23 =	vmov s25;
	s25 =	smov.u32 s8  }
0xc7: {  	v21 =	vld [tilespmem:s11+$0xFFFFFFC0];
	v22 =	vunpack.i.u.bf16.f32 v3;
	v3 =	vmov v10;
	s8 =	smov.u32 s9;
	s9 =	smov.u32 s2;
	s2 =	sadd.s32 $0x1, s2  }
0xc8: {  	v18 =	vunpack.i.l.bf16.f32 v18;
	v10 =	vld [tilespmem:s11+$0xFFFFFFB0];
	v24 =	vunpack.i.l.bf16.f32 v3;
	vm0 =	veq.s32 v23, v0  }
0xc9: {  	v23 =	vmul.bf16 v7, v9;
	v7 =	vadd.f32 v18, v20;
	v9 =	vunpack.i.u.bf16.f32 v11;
	v25 =	vld [tilespmem:s11+$0xFFFFFFE0]  }
0xca: {  	v16 =	vadd.f32 v19, v16;
	v11 =	vunpack.i.l.bf16.f32 v11;
	v13 =	vmul.bf16 v13, v15;
	v15 =	vld [tilespmem:s10+$0x0]  }
0xcb: {  	v14 =	vadd.f32 v22, v14;
	s10 =	sadd.s32 $0x80, s10;
	v12 =	vmul.bf16 v17, v12;
	v17 =	vunpack.i.l.bf16.f32 v23;
	v18 =	vld [tilespmem:s11+$0x0]  }
0xcc: {  	v16 =	vadd.f32 v9, v16;
	s11 =	sadd.s32 $0x80, s11;
	v19 =	vld [tilespmem:s10+$0xFFFFFFF0];
	v20 =	vunpack.i.u.bf16.f32 v13;
	v13 =	vunpack.i.l.bf16.f32 v13  }
0xcd: {  	v22 =	vld [tilespmem:s11+$0xFFFFFFF0];
	v26 =	vadd.f32 $0.0e+00, v13;
	v10 =	vmul.bf16 v6, v10;
	v6 =	vadd.f32 v11, v7  }
0xce: {  	v21 =	vmul.bf16 v5, v21;
	v11 =	vunpack.i.u.bf16.f32 v12;
	v12 =	vunpack.i.l.bf16.f32 v12;
	v7 =	vld [tilespmem:s10+$0xFFFFFFD0];
	v5, _, _ =	vpop (xrf2)  }
0xcf: {  	v8 =	vadd.f32 v8, v14;
	v9 =	vld [tilespmem:s11+$0xFFFFFFD0];
	v13 =	vadd.f32 v6, v16;
	v5 =	vbroadcast v5, $0xF  }
0xd0: {  	v12 =	vadd.f32 $0.0e+00, v12;
	v14 =	vunpack.i.l.bf16.f32 v10;
	v16 =	vunpack.i.u.bf16.f32 v21;
	v27 =	vld [tilespmem:s10+$0xFFFFFFE0]  }
0xd1: {  	v28 =	vadd.f32 $0.0e+00, v11;
	v10 =	vunpack.i.u.bf16.f32 v10;
	v6 =	vld [tilespmem:s10+$0xFFFFFFB0];
	v2 =	vsel vm0, v5, v2  }
.Ltmp2:
0xd2: {  	v14 =	vadd.f32 v14, v12;
	v11 =	vmul.bf16 v15, v18;
	v8 =	vadd.f32 v13, v8;
	v5 =	vld [tilespmem:s10+$0xFFFFFFC0];
	(pc) =	sbr.rel @p0 .LBB2_9-.Ltmp2, $4  }
0xd3: {  	v23 =	vunpack.i.u.bf16.f32 v23;
	v20 =	vadd.f32 $0.0e+00, v20;
	v28 =	vadd.f32 v10, v28;
	v12 =	vld [tilespmem:s11+$0xFFFFFF90]  }
0xd4: {  	v18 =	vmul.bf16 v4, v25;
	v10 =	vmul.bf16 v19, v22;
	v22 =	vadd.f32 v17, v14;
	v13 =	vld [tilespmem:s10+$0xFFFFFFA0];
	(xrf2) =	vadd.scan.msk.f32 $0xffff, v8  }
0xd5: {  	v16 =	vadd.f32 v16, v20;
	v14 =	vadd.f32 v23, v28;
	v8 =	vunpack.i.l.bf16.f32 v21;
	v15 =	vld [tilespmem:s11+$0xFFFFFFA0];
	v4 =	vmovc v27  }
0xd6: {  	v19 =	vunpack.i.u.bf16.f32 v18;
	v20 =	vadd.f32 v8, v26;
	v8 =	vadd.f32 v24, v22;
	v17 =	vld [tilespmem:s10+$0xFFFFFF90]  }
0xd7: {  	v21 =	vld [tilespmem:s11+$0xFFFFFFB0]  }
0xd8: {  	v41 =	vld [tilespmem:s11+$0xFFFFFFC0]  }
0xd9: {  	v3 =	vunpack.i.u.bf16.f32 v3;
	v46 =	vld [tilespmem:s11+$0xFFFFFFE0]  }
0xda: {  	v22 =	vunpack.i.l.bf16.f32 v10;
	v18 =	vunpack.i.l.bf16.f32 v18;
	v7 =	vmul.bf16 v7, v9;
	v47 =	vld [tilespmem:s10+$0x0]  }
0xdb: {  	v42 =	vadd.f32 v19, v16;
	v43 =	vunpack.i.u.bf16.f32 v11;
	v44 =	vunpack.i.l.bf16.f32 v11;
	v49 =	vld [tilespmem:s11+$0x0]  }
0xdc: {  	v18 =	vadd.f32 v18, v20;
	v3 =	vadd.f32 v3, v14;
	v13 =	vmul.bf16 v13, v15  }
0xdd: {  	v48 =	vunpack.i.l.bf16.f32 v7;
	v7 =	vunpack.i.u.bf16.f32 v7;
	v15 =	vadd.f32 v43, v42  }
0xde: {  	v11 =	vadd.f32 v44, v18;
	v12 =	vmul.bf16 v17, v12;
	v45 =	vunpack.i.l.bf16.f32 v13  }
0xdf: {  	v6 =	vmul.bf16 v6, v21;
	v5 =	vmul.bf16 v5, v41;
	v13 =	vunpack.i.u.bf16.f32 v13  }
0xe0: {  	v4 =	vmul.bf16 v4, v46;
	v53 =	vmul.bf16 v47, v49;
	v14 =	vadd.f32 $0.0e+00, v45  }
0xe1: {  	v17 =	vunpack.i.l.bf16.f32 v12;
	v12 =	vunpack.i.u.bf16.f32 v12;
	v13 =	vadd.f32 $0.0e+00, v13  }
0xe2: {  	v17 =	vadd.f32 $0.0e+00, v17;
	v50 =	vunpack.i.l.bf16.f32 v6;
	v12 =	vadd.f32 $0.0e+00, v12  }
0xe3: {  	v51 =	vunpack.i.u.bf16.f32 v5;
	v6 =	vunpack.i.u.bf16.f32 v6;
	v5 =	vunpack.i.l.bf16.f32 v5  }
0xe4: {  	v54 =	vunpack.i.u.bf16.f32 v4;
	v52 =	vadd.f32 v51, v13;
	v5 =	vadd.f32 v5, v14  }
0xe5: {  	v4 =	vunpack.i.l.bf16.f32 v4;
	v9 =	vadd.f32 v50, v17;
	v6 =	vadd.f32 v6, v12  }
0xe6: {  	v57 =	vunpack.i.u.bf16.f32 v53;
	v4 =	vadd.f32 v4, v5;
	v56 =	vadd.f32 v54, v52  }
0xe7: {  	v58 =	vunpack.i.l.bf16.f32 v53;
	v9 =	vadd.f32 v48, v9;
	v6 =	vadd.f32 v7, v6  }
0xe8: {  	v55 =	vunpack.i.u.bf16.f32 v10;
	v5 =	vadd.f32 v57, v56;
	v4 =	vadd.f32 v58, v4  }
0xe9: {  	v9 =	vadd.f32 v22, v9;
	v6 =	vadd.f32 v55, v6  }
0xea: {  	v3 =	vadd.f32 v8, v3;
	v59 =	vadd.f32 v11, v15  }
0xeb: {  	v4 =	vadd.f32 v4, v5;
	v6 =	vadd.f32 v9, v6  }
0xec: {  	v3 =	vadd.f32 v59, v3  }
0xed: {  	v4 =	vadd.f32 v4, v6  }
0xee: {  	(xrf2) =	vadd.scan.msk.f32 $0xffff, v3  }
0xef: {  	(xrf2) =	vadd.scan.msk.f32 $0xffff, v4;
	_ =	sdelay $0x6  }
0xf0: {  	v3, _, _ =	vpop (xrf2)  }
0xf1: {  	v60 =	vmov s25;
	s2 =	sshll.u32 s31, $0x4;
	s31 =	sadd.s32 $0x1, s31;
	v3 =	vbroadcast v3, $0xF  }
0xf2: {  	vm0 =	veq.s32 v60, v0;
	p0 =	sne.s32 s31, $0x5;
	v61, _, _ =	vpop (xrf2)  }
.Ltmp3:
0xf3: {  	v2 =	vsel vm0, v3, v2;
	v3 =	vmov s8;
	v62 =	vbroadcast v61, $0xF;
	v63, _, _ =	vpop (xrf2);
	(pc) =	sbr.rel @p0 .LBB2_8-.Ltmp3, $4  }
0xf4: {  	vm14 =	veq.s32 v3, v0;
	v3 =	vmov s9;
	v5 =	vbroadcast v63, $0xF  }
0xf5: {  	vm15 =	veq.s32 v3, v0;
	v2 =	vsel vm14, v62, v2  }
0xf6: {  	s2 =	sand.u32 $0x3FFFFFF0, s2;
	v2 =	vsel vm15, v5, v2  }
0xf7: {  	s0 =	sadd.s32 $0x800, s0;
	s3 =	sadd.s32 $0x800, s3;
	[tilespmem:v1+s2+$0x0 ss:$0x1] =	vst.idx.msk $0xffff, v2  }
0xf8: {  	p0 =	seq.s32 s29, $0xB  }
.Ltmp4:
0xf9: {  	_ = 	snop;
	(pc) =	sbr.rel @p0 .LBB2_13-.Ltmp4, $1  }
0xfa: {  	_ =	sdelay $0x3  }
.Ltmp5:
0xfb: {  	(pc) =	sbr.rel .LBB2_3-.Ltmp5, $4  }
0xfc: {  	s0 =	sadd.s32 $0xF0, s30  }
0xfd: {  	[tilespmem:s17], [sflag:$0x3] =	stream.indirect.gather [spmem:s1], $0x80, s0, s14, $0xb8;
	[tilespmem:$0x1EFF0] =	vst v63  }
0xfe: {  	s31 =	sadd.s32 $0x8C0, s30;
	s29 =	sadd.s32 $0x1, s29  }
0xff: {  	[tilespmem:s19], [sflag:$0x4] =	stream.indirect.gather [spmem:s1], $0x80, s31, s14, $0xb8;
	[tilespmem:$0x1EFF0] =	vst v63  }
.LBB2_13:
0x100: {  	_ =	swait.ge [sflag:s20], $0x2800  }
0x101: {  	[sflag:s20] =	ssyncset.done $0x0  }
0x102: {  	[sflag:s20] =	ssyncadd.s32 $0xFFFFD800  }
0x103: {  	_ =	swait.ge [sflag:s21], $0x2800  }
0x104: {  	s0 =	simm.s32 $0x0;
	[sflag:s21] =	ssyncset.done $0x0  }
0x105: {  	s3 =	simm.s32 $0xFE0;
	s29 =	simm.s32 $0x5FE0;
	[sflag:s21] =	ssyncadd.s32 $0xFFFFD800  }
.LBB2_14:
0x106: {  	v1 =	vld [tilespmem:s29+$0x20]  }
0x107: {  	v2 =	vld [tilespmem:s3+$0x20]  }
0x108: {  	v3 =	vld [tilespmem:s29+$0x0]  }
0x109: {  	v4 =	vld [tilespmem:s3+$0x0]  }
0x10a: {  	v5 =	vld [tilespmem:s29+$0x10]  }
0x10b: {  	v6 =	vld [tilespmem:s29+$0xFFFFFFE0]  }
0x10c: {  	v7 =	vld [tilespmem:s29+$0xFFFFFFF0]  }
0x10d: {  	v8 =	vld [tilespmem:s3+$0xFFFFFFC0]  }
0x10e: {  	v9 =	vld [tilespmem:s29+$0xFFFFFFD0]  }
0x10f: {  	v10 =	vld [tilespmem:s3+$0xFFFFFFD0]  }
0x110: {  	v11 =	vld [tilespmem:s29+$0xFFFFFFC0]  }
0x111: {  	v12 =	vld [tilespmem:s3+$0xFFFFFFF0]  }
0x112: {  	v13 =	vld [tilespmem:s3+$0xFFFFFFE0]  }
0x113: {  	v14 =	vld [tilespmem:s3+$0x10]  }
0x114: {  	v15 =	vld [tilespmem:s29+$0x30]  }
0x115: {  	v16 =	vld [tilespmem:s3+$0x30];
	s8 =	sadd.s32 $0x80, s29  }
0x116: {  	s2 =	sadd.s32 $0x80, s3;
	v17 =	vld [tilespmem:s8+$0x20]  }
0x117: {  	v19 =	vld [tilespmem:s2+$0x0];
	v18 =	vmul.bf16 v1, v2;
	v2 =	vmul.bf16 v3, v4  }
0x118: {  	v21 =	vld [tilespmem:s8+$0x10];
	v4 =	vmul.bf16 v9, v10;
	v8 =	vmul.bf16 v11, v8  }
0x119: {  	v23 =	vld [tilespmem:s8+$0xFFFFFFF0];
	v1 =	vimm.f32 $0.0e+00;
	v6 =	vmul.bf16 v6, v13;
	v7 =	vmul.bf16 v7, v12  }
0x11a: {  	v60 =	vld [tilespmem:s2+$0xFFFFFFC0];
	v15 =	vmul.bf16 v15, v16;
	v5 =	vmul.bf16 v5, v14;
	v10 =	vunpack.i.l.bf16.f32 v18  }
0x11b: {  	v3 =	vld [tilespmem:s2+$0x20];
	v11 =	vunpack.i.l.bf16.f32 v2;
	v20 =	vunpack.i.u.bf16.f32 v4;
	v13 =	vunpack.i.l.bf16.f32 v8  }
0x11c: {  	s11 =	sadd.s32 $0x80, s2;
	v9 =	vld [tilespmem:s8+$0x0];
	v4 =	vunpack.i.l.bf16.f32 v4;
	v8 =	vunpack.i.u.bf16.f32 v8;
	v22 =	vunpack.i.l.bf16.f32 v6  }
0x11d: {  	v62 =	vld [tilespmem:s11+$0x20];
	v24 =	vunpack.i.u.bf16.f32 v7;
	v12 =	vadd.f32 $0.0e+00, v13;
	v16 =	vadd.f32 $0.0e+00, v20  }
0x11e: {  	v6 =	vunpack.i.u.bf16.f32 v6;
	v4 =	vadd.f32 $0.0e+00, v4;
	v8 =	vadd.f32 $0.0e+00, v8;
	v20 =	vld [tilespmem:s8+$0xFFFFFFD0]  }
0x11f: {  	v7 =	vunpack.i.l.bf16.f32 v7;
	v12 =	vadd.f32 v22, v12;
	v14 =	vadd.f32 v24, v16;
	v16 =	vld [tilespmem:s8+$0xFFFFFFC0]  }
0x120: {  	v6 =	vadd.f32 v6, v8;
	v8 =	vunpack.i.u.bf16.f32 v2;
	v4 =	vadd.f32 v7, v4;
	v7 =	vld [tilespmem:s2+$0xFFFFFFF0]  }
0x121: {  	v2 =	vmul.bf16 v17, v3;
	v9 =	vmul.bf16 v9, v19;
	v11 =	vadd.f32 v11, v12;
	v12 =	vld [tilespmem:s2+$0xFFFFFFD0]  }
0x122: {  	v17 =	vld [tilespmem:s2+$0x10];
	v3 =	vadd.f32 v8, v6;
	v6 =	vunpack.i.u.bf16.f32 v5;
	v5 =	vunpack.i.l.bf16.f32 v5  }
0x123: {  	v13 =	vld [tilespmem:s8+$0xFFFFFFE0];
	v8 =	vunpack.i.u.bf16.f32 v18;
	v61 =	vunpack.i.l.bf16.f32 v2;
	v4 =	vadd.f32 v5, v4  }
0x124: {  	v19 =	vunpack.i.l.bf16.f32 v9;
	v6 =	vadd.f32 v6, v14;
	v10 =	vadd.f32 v10, v11;
	v11 =	vld [tilespmem:s2+$0xFFFFFFE0]  }
0x125: {  	v18 =	vld [tilespmem:s8+$0x30];
	v5 =	vunpack.i.u.bf16.f32 v15;
	v14 =	vunpack.i.l.bf16.f32 v15;
	v15 =	vmul.bf16 v16, v60  }
0x126: {  	s10 =	sadd.s32 $0x80, s8;
	v16 =	vld [tilespmem:s2+$0x30];
	v5 =	vadd.f32 v5, v6;
	v4 =	vadd.f32 v14, v4;
	v12 =	vmul.bf16 v20, v12  }
0x127: {  	v3 =	vadd.f32 v8, v3;
	v6 =	vld [tilespmem:s10+$0x0];
	v7 =	vmul.bf16 v23, v7;
	v17 =	vmul.bf16 v21, v17  }
0x128: {  	v20 =	vld [tilespmem:s10+$0x20];
	v14 =	vunpack.i.l.bf16.f32 v15;
	v63 =	vadd.f32 v4, v5;
	v8 =	vunpack.i.l.bf16.f32 v12  }
0x129: {  	v5 =	vld [tilespmem:s10+$0xFFFFFFE0];
	v11 =	vmul.bf16 v13, v11;
	v13 =	vunpack.i.u.bf16.f32 v15;
	v15 =	vadd.f32 v10, v3  }
0x12a: {  	v4 =	vld [tilespmem:s10+$0xFFFFFFF0];
	v12 =	vunpack.i.u.bf16.f32 v12;
	v10 =	vadd.f32 $0.0e+00, v14;
	v25 =	vadd.f32 $0.0e+00, v8  }
0x12b: {  	v3 =	vld [tilespmem:s10+$0x10];
	v13 =	vadd.f32 $0.0e+00, v13;
	v14 =	vunpack.i.l.bf16.f32 v11;
	v27 =	vunpack.i.u.bf16.f32 v11  }
0x12c: {  	v8 =	vld [tilespmem:s11+$0x0];
	v14 =	vadd.f32 v14, v10;
	v10 =	vmul.bf16 v18, v16;
	v16 =	vadd.f32 v63, v15  }
0x12d: {  	v26 =	vunpack.i.u.bf16.f32 v7;
	v11 =	vld [tilespmem:s11+$0xFFFFFFC0];
	v15 =	vadd.f32 $0.0e+00, v12;
	v13 =	vadd.f32 v27, v13  }
0x12e: {  	v18 =	vunpack.i.u.bf16.f32 v9;
	v12 =	vld [tilespmem:s10+$0xFFFFFFD0];
	v9 =	vmul.bf16 v20, v62;
	v20 =	vadd.f32 v19, v14  }
0x12f: {  	s9 =	simm.s32 $0x2;
	v7 =	vunpack.i.l.bf16.f32 v7;
	v14 =	vld [tilespmem:s11+$0xFFFFFFD0];
	v15 =	vadd.f32 v26, v15;
	v13 =	vadd.f32 v18, v13;
	(xrf2) =	vadd.scan.msk.f32 $0xffff, v16  }
0x130: {  	s25 =	simm.s32 $0x0;
	s8 =	simm.s32 $0x1;
	s2 =	simm.s32 $0x3;
	v16 =	vld [tilespmem:s10+$0xFFFFFFC0];
	v19 =	vadd.f32 v7, v25;
	v18 =	vunpack.i.u.bf16.f32 v17;
	v7 =	vadd.f32 v61, v20  }
.LBB2_15:
0x131: {  	p0 =	sne.s32 s2, $0xF;
	v22 =	vmov s25;
	s25 =	smov.u32 s8  }
0x132: {  	v20 =	vld [tilespmem:s11+$0xFFFFFFF0];
	v21 =	vunpack.i.u.bf16.f32 v2;
	v2 =	vmov v9;
	s8 =	smov.u32 s9;
	s9 =	smov.u32 s2;
	s2 =	sadd.s32 $0x1, s2  }
0x133: {  	v17 =	vunpack.i.l.bf16.f32 v17;
	v9 =	vld [tilespmem:s11+$0xFFFFFFE0];
	v23 =	vunpack.i.l.bf16.f32 v2;
	vm0 =	veq.s32 v22, v0  }
0x134: {  	v22 =	vmul.bf16 v6, v8;
	v6 =	vadd.f32 v17, v19;
	v8 =	vunpack.i.u.bf16.f32 v10;
	v24 =	vld [tilespmem:s11+$0x10]  }
0x135: {  	v15 =	vadd.f32 v18, v15;
	v10 =	vunpack.i.l.bf16.f32 v10;
	v12 =	vmul.bf16 v12, v14;
	v14 =	vld [tilespmem:s10+$0x30]  }
0x136: {  	v13 =	vadd.f32 v21, v13;
	s10 =	sadd.s32 $0x80, s10;
	v11 =	vmul.bf16 v16, v11;
	v16 =	vunpack.i.l.bf16.f32 v22;
	v17 =	vld [tilespmem:s11+$0x30]  }
0x137: {  	v15 =	vadd.f32 v8, v15;
	s11 =	sadd.s32 $0x80, s11;
	v18 =	vld [tilespmem:s10+$0x20];
	v19 =	vunpack.i.u.bf16.f32 v12;
	v12 =	vunpack.i.l.bf16.f32 v12  }
0x138: {  	v21 =	vld [tilespmem:s11+$0x20];
	v25 =	vadd.f32 $0.0e+00, v12;
	v9 =	vmul.bf16 v5, v9;
	v5 =	vadd.f32 v10, v6  }
0x139: {  	v20 =	vmul.bf16 v4, v20;
	v10 =	vunpack.i.u.bf16.f32 v11;
	v11 =	vunpack.i.l.bf16.f32 v11;
	v6 =	vld [tilespmem:s10+$0x0];
	v4, _, _ =	vpop (xrf2)  }
0x13a: {  	v7 =	vadd.f32 v7, v13;
	v8 =	vld [tilespmem:s11+$0x0];
	v12 =	vadd.f32 v5, v15;
	v4 =	vbroadcast v4, $0xF  }
0x13b: {  	v11 =	vadd.f32 $0.0e+00, v11;
	v13 =	vunpack.i.l.bf16.f32 v9;
	v15 =	vunpack.i.u.bf16.f32 v20;
	v26 =	vld [tilespmem:s10+$0x10]  }
0x13c: {  	v27 =	vadd.f32 $0.0e+00, v10;
	v9 =	vunpack.i.u.bf16.f32 v9;
	v5 =	vld [tilespmem:s10+$0xFFFFFFE0];
	v1 =	vsel vm0, v4, v1  }
.Ltmp6:
0x13d: {  	v13 =	vadd.f32 v13, v11;
	v10 =	vmul.bf16 v14, v17;
	v7 =	vadd.f32 v12, v7;
	v4 =	vld [tilespmem:s10+$0xFFFFFFF0];
	(pc) =	sbr.rel @p0 .LBB2_15-.Ltmp6, $4  }
0x13e: {  	v22 =	vunpack.i.u.bf16.f32 v22;
	v19 =	vadd.f32 $0.0e+00, v19;
	v27 =	vadd.f32 v9, v27;
	v11 =	vld [tilespmem:s11+$0xFFFFFFC0]  }
0x13f: {  	v17 =	vmul.bf16 v3, v24;
	v9 =	vmul.bf16 v18, v21;
	v21 =	vadd.f32 v16, v13;
	v12 =	vld [tilespmem:s10+$0xFFFFFFD0];
	(xrf2) =	vadd.scan.msk.f32 $0xffff, v7  }
0x140: {  	v15 =	vadd.f32 v15, v19;
	v13 =	vadd.f32 v22, v27;
	v7 =	vunpack.i.l.bf16.f32 v20;
	v14 =	vld [tilespmem:s11+$0xFFFFFFD0];
	v3 =	vmovc v26  }
0x141: {  	v18 =	vunpack.i.u.bf16.f32 v17;
	v19 =	vadd.f32 v7, v25;
	v7 =	vadd.f32 v23, v21;
	v16 =	vld [tilespmem:s10+$0xFFFFFFC0]  }
0x142: {  	v20 =	vld [tilespmem:s11+$0xFFFFFFE0]  }
0x143: {  	v43 =	vld [tilespmem:s11+$0xFFFFFFF0]  }
0x144: {  	v2 =	vunpack.i.u.bf16.f32 v2;
	v48 =	vld [tilespmem:s11+$0x10]  }
0x145: {  	v21 =	vunpack.i.l.bf16.f32 v9;
	v17 =	vunpack.i.l.bf16.f32 v17;
	v6 =	vmul.bf16 v6, v8;
	v49 =	vld [tilespmem:s10+$0x30]  }
0x146: {  	v44 =	vadd.f32 v18, v15;
	v45 =	vunpack.i.u.bf16.f32 v10;
	v46 =	vunpack.i.l.bf16.f32 v10;
	v51 =	vld [tilespmem:s11+$0x30]  }
0x147: {  	v17 =	vadd.f32 v17, v19;
	v2 =	vadd.f32 v2, v13;
	v12 =	vmul.bf16 v12, v14  }
0x148: {  	v50 =	vunpack.i.l.bf16.f32 v6;
	v6 =	vunpack.i.u.bf16.f32 v6;
	v14 =	vadd.f32 v45, v44  }
0x149: {  	v10 =	vadd.f32 v46, v17;
	v11 =	vmul.bf16 v16, v11;
	v47 =	vunpack.i.l.bf16.f32 v12  }
0x14a: {  	v5 =	vmul.bf16 v5, v20;
	v4 =	vmul.bf16 v4, v43;
	v12 =	vunpack.i.u.bf16.f32 v12  }
0x14b: {  	v3 =	vmul.bf16 v3, v48;
	v55 =	vmul.bf16 v49, v51;
	v13 =	vadd.f32 $0.0e+00, v47  }
0x14c: {  	v16 =	vunpack.i.l.bf16.f32 v11;
	v11 =	vunpack.i.u.bf16.f32 v11;
	v12 =	vadd.f32 $0.0e+00, v12  }
0x14d: {  	v16 =	vadd.f32 $0.0e+00, v16;
	v52 =	vunpack.i.l.bf16.f32 v5;
	v11 =	vadd.f32 $0.0e+00, v11  }
0x14e: {  	v53 =	vunpack.i.u.bf16.f32 v4;
	v5 =	vunpack.i.u.bf16.f32 v5;
	v4 =	vunpack.i.l.bf16.f32 v4  }
0x14f: {  	v56 =	vunpack.i.u.bf16.f32 v3;
	v54 =	vadd.f32 v53, v12;
	v4 =	vadd.f32 v4, v13  }
0x150: {  	v3 =	vunpack.i.l.bf16.f32 v3;
	v8 =	vadd.f32 v52, v16;
	v5 =	vadd.f32 v5, v11  }
0x151: {  	v59 =	vunpack.i.u.bf16.f32 v55;
	v3 =	vadd.f32 v3, v4;
	v58 =	vadd.f32 v56, v54  }
0x152: {  	v60 =	vunpack.i.l.bf16.f32 v55;
	v8 =	vadd.f32 v50, v8;
	v5 =	vadd.f32 v6, v5  }
0x153: {  	v57 =	vunpack.i.u.bf16.f32 v9;
	v4 =	vadd.f32 v59, v58;
	v3 =	vadd.f32 v60, v3  }
0x154: {  	v8 =	vadd.f32 v21, v8;
	v5 =	vadd.f32 v57, v5  }
0x155: {  	v2 =	vadd.f32 v7, v2;
	v61 =	vadd.f32 v10, v14  }
0x156: {  	v3 =	vadd.f32 v3, v4;
	v5 =	vadd.f32 v8, v5  }
0x157: {  	v2 =	vadd.f32 v61, v2  }
0x158: {  	v3 =	vadd.f32 v3, v5  }
0x159: {  	(xrf2) =	vadd.scan.msk.f32 $0xffff, v2  }
0x15a: {  	(xrf2) =	vadd.scan.msk.f32 $0xffff, v3;
	_ =	sdelay $0x6  }
0x15b: {  	v2, _, _ =	vpop (xrf2)  }
0x15c: {  	s2 =	sshll.u32 s0, $0x4;
	s0 =	sadd.s32 $0x1, s0;
	v2 =	vbroadcast v2, $0xF;
	v3 =	vmov s25  }
0x15d: {  	p0 =	sne.s32 s0, $0x5;
	v62, _, _ =	vpop (xrf2);
	vm0 =	veq.s32 v3, v0  }
.Ltmp7:
0x15e: {  	v3 =	vbroadcast v62, $0xF;
	v1 =	vsel vm0, v2, v1;
	v2 =	vmov s8;
	v63, _, _ =	vpop (xrf2);
	(pc) =	sbr.rel @p0 .LBB2_14-.Ltmp7, $4  }
0x15f: {  	vm14 =	veq.s32 v2, v0;
	v2 =	vmov s9;
	v4 =	vbroadcast v63, $0xF  }
0x160: {  	v1 =	vsel vm14, v3, v1;
	vm15 =	veq.s32 v2, v0  }
0x161: {  	s2 =	sand.u32 $0x3FFFFFF0, s2;
	v1 =	vsel vm15, v4, v1  }
0x162: {  	s3 =	sadd.s32 $0x800, s3;
	s29 =	sadd.s32 $0x800, s29;
	[tilespmem:s2+$0xB720] =	vst v1  }
0x163: {  	s26 =	sadd.s32 $0x1, s26  }
0x164: {  	p0 =	sne.s32 s26, $0x5  }
.Ltmp8:
0x165: {  	s0 =	sadd.s32 s6, s28;
	s2 =	simm.s32 $0x0;
	(pc) =	sbr.rel @p0 .LBB2_2-.Ltmp8, $4  }
0x166: {  	[hbm4b:s0+s2] =	stream.linear.scatter [tilespmem:s24], [sflag:$0x5], $0x7D0, $0x38;
	[tilespmem:$0x1EFF0] =	vst v63  }
0x167: {  	_ =	swait.ge [sflag:s12], $0x7D0  }
0x168: {  	[sflag:s12] =	ssyncset.done $0x0  }
0x169: {  	[sflag:s12] =	ssyncadd.s32 $0xFFFFF830  }
0x16a: {  	s2 =	rddreg [dreg:$0x7]  }
0x16b: {  	s0 =	rddreg [dreg:$0x5];
	s2 =	sadd.s32 $0x1, s2  }
0x16c: {  	p0 =	sne.s32 s2, s0  }
.Ltmp9:
0x16d: {  	_ = 	snop;
	(pc) =	sbr.rel @p0 .LBB2_1-.Ltmp9, $1  }
0x16e: {  	_ =	sdelay $0x3  }
0x16f: {  	_ =	sfence.sel $0x180000  }
0x170: {  	[bflag:$0x0] =	sbarrier.arrive $0xFFFF  }
0x171: {  	_ =	strace $0x90000047  }
0x172: {  	s0 =	stileid.u32;
	[bflag:$0x2] =	sbarrier.arrive $0xFFFF  }
0x173: {  	p0 =	sne.s32 s0, $0x0;
	s0 =	rddreg [dreg:$0x2]  }
0x174: {  	s0 =	sadd.s32 @!p0 $0x100000, s0  }
0x175: {  	[sflag:s0] =	ssyncadd.tile.s32 @!p0 $0x1;
	_ =	shalt  }
.Lfunc_end2:
_tile_overlayer_lowered:
.L_overlay_start_2:
0x176: {  	(tag) =	ssettag $0x2  }
0x177: {  	s0 =	rddreg [dreg:$0x0];
	s2 =	stileid.u32  }
0x178: {  	s1 =	rddreg [dreg:$0x1];
	p0 =	sne.s32 s2, $0x0  }
0x179: {  	s3 =	rddreg [dreg:$0x2];
	[bflag:$0x3] =	sbarrier.arrive $0xFFFF;
	s2 =	simm.s32 @!p0 $0x1C05  }
0x17a: {  	[timem:s3], [sflag:s2] =	dma.local @!p0 [hbm:s0], s1  }
0x17b: {  	s0 =	simm.s32 @!p0 $0x5  }
0x17c: {  	_ =	swait.ge @!p0 [sflag:s0], s1  }
0x17d: {  	s1 =	ssub.s32 @!p0 $0x0, s1;
	[sflag:s0] =	ssyncset.done @!p0 $0x0  }
0x17e: {  	[sflag:s0] =	ssyncadd.s32 @!p0 s1  }
0x17f: {  	[bflag:$0x3] =	sbarrier.arrive $0xFFFF  }
0x180: {  	_ =	shalt  }

</sc_bundles>
